<compile_context>
chip_gen: v7x
topology: tpu7x:2x2x1
jax: 0.10.2.dev20260603
libtpu: 0.0.44.dev20260713+nightly
codegen_flags: <defaults>
</compile_context>

<pallas_src>
import functools

import jax
import jax.numpy as jnp
from jax import lax
from jax.experimental import pallas as pl
from jax.experimental.pallas import tpu as pltpu
from jax.experimental.pallas import tpu_sc as plsc

N_NODES = 10000
N_PAD = 10240
JUNK_ROW = 10016
E_RAW = 320000
TILES = 16
CHUNK = 128
NCH = 160
E_PAD = TILES * NCH * CHUNK
RPT = N_PAD // TILES
D_HALF = 128
BLK = 512

_mesh = plsc.VectorSubcoreMesh(
    core_axis_name="c", subcore_axis_name="s", num_cores=2, num_subcores=16
)



@functools.partial(
    pl.kernel,
    out_type=jax.ShapeDtypeStruct((N_PAD,), jnp.float32),
    mesh=_mesh,
    scratch_types=[
        pltpu.VMEM((NCH, CHUNK), jnp.int32),
        pltpu.VMEM((CHUNK,), jnp.float32),
        pltpu.VMEM_SHARED((N_PAD,), jnp.float32),
        pltpu.VMEM((RPT,), jnp.float32),
        pltpu.SemaphoreType.DMA,
    ],
)
def _deg_kernel(dst3, deg_out, dst2d, ones_v, acc_sh, outb, sem):
    c = lax.axis_index("c")
    s = lax.axis_index("s")

    @pl.when(c == 0)
    def _():
        pltpu.sync_copy(dst3.at[s], dst2d)
        for q in range(CHUNK // 16):
            ones_v[pl.ds(q * 16, 16)] = jnp.ones((16,), jnp.float32)

        def zb(i, _):
            outb[pl.ds(i * 16, 16)] = jnp.zeros((16,), jnp.float32)
            return 0

        lax.fori_loop(0, RPT // 16, zb, 0)
        pltpu.sync_copy(outb, acc_sh.at[pl.ds(s * RPT, RPT)])

    plsc.subcore_barrier()

    @pl.when(c == 0)
    def _():
        def fire(j, _):
            pltpu.async_copy(ones_v, acc_sh.at[dst2d.at[j]], sem, add=True)
            return 0

        lax.fori_loop(0, NCH, fire, 0)

        def drain(j, _):
            pltpu.make_async_copy(ones_v, acc_sh.at[dst2d.at[0]], sem).wait()
            return 0

        lax.fori_loop(0, NCH, drain, 0)

    plsc.subcore_barrier()

    @pl.when(c == 0)
    def _():
        base = s * RPT
        pltpu.sync_copy(acc_sh.at[pl.ds(base, RPT)], outb)

        def fb(v, _):
            sl = pl.ds(v * 16, 16)
            outb[sl] = outb[sl] + 1.0
            return 0

        lax.fori_loop(0, RPT // 16, fb, 0)
        pltpu.sync_copy(outb, deg_out.at[pl.ds(base, RPT)])



def _mm1_body(x_ref, w_ref, b_ref, deg_ref, h1_ref, h2_ref, dinv_ref):
    dinv = lax.rsqrt(deg_ref[...])
    h = jnp.dot(x_ref[...], w_ref[...], preferred_element_type=jnp.float32)
    hp = (h + b_ref[...]) * dinv
    h1_ref[...] = hp[:, :D_HALF]
    h2_ref[...] = hp[:, D_HALF:]
    dinv_ref[...] = dinv


_mm1 = pl.pallas_call(
    _mm1_body,
    grid=(N_PAD // BLK,),
    in_specs=[
        pl.BlockSpec((BLK, 128), lambda i: (i, 0)),
        pl.BlockSpec((128, 256), lambda i: (0, 0)),
        pl.BlockSpec((1, 256), lambda i: (0, 0)),
        pl.BlockSpec((BLK, 1), lambda i: (i, 0)),
    ],
    out_specs=[
        pl.BlockSpec((BLK, D_HALF), lambda i: (i, 0)),
        pl.BlockSpec((BLK, D_HALF), lambda i: (i, 0)),
        pl.BlockSpec((BLK, 1), lambda i: (i, 0)),
    ],
    out_shape=[
        jax.ShapeDtypeStruct((N_PAD, D_HALF), jnp.float32),
        jax.ShapeDtypeStruct((N_PAD, D_HALF), jnp.float32),
        jax.ShapeDtypeStruct((N_PAD, 1), jnp.float32),
    ],
)



@functools.partial(
    pl.kernel,
    out_type=[
        jax.ShapeDtypeStruct((N_PAD, D_HALF), jnp.float32),
        jax.ShapeDtypeStruct((N_PAD, D_HALF), jnp.float32),
    ],
    mesh=_mesh,
    scratch_types=[
        pltpu.VMEM((2, CHUNK), jnp.int32),
        pltpu.VMEM((2, CHUNK), jnp.int32),
        pltpu.VMEM((CHUNK, D_HALF), jnp.float32),
        pltpu.VMEM((CHUNK, D_HALF), jnp.float32),
        pltpu.VMEM_SHARED((N_PAD, D_HALF), jnp.float32),
        pltpu.SemaphoreType.DMA,
        pltpu.SemaphoreType.DMA,
    ],
)
def _agg_kernel(h1, h2, e4, s1_out, s2_out,
                idx_a, idx_b, rows_a, rows_b, acc_sh, sem_a, sem_b):
    c = lax.axis_index("c")
    s = lax.axis_index("s")
    base = s * RPT

    @pl.when(c == 0)
    def _():
        pltpu.sync_copy(h1.at[pl.ds(base, RPT)], acc_sh.at[pl.ds(base, RPT)])

    @pl.when(c == 1)
    def _():
        pltpu.sync_copy(h2.at[pl.ds(base, RPT)], acc_sh.at[pl.ds(base, RPT)])

    plsc.subcore_barrier()

    def edge_loop(h):
        pltpu.sync_copy(e4.at[s, 0], idx_a)
        pltpu.async_copy(h.at[idx_a.at[0]], rows_a, sem_a)

        def body(i, _):
            j = 2 * i
            pltpu.make_async_copy(h.at[idx_a.at[0]], rows_a, sem_a).wait()
            pltpu.sync_copy(e4.at[s, j + 1], idx_b)
            pltpu.async_copy(h.at[idx_b.at[0]], rows_b, sem_b)
            pltpu.sync_copy(rows_a, acc_sh.at[idx_a.at[1]], add=True)

            @pl.when(j + 2 < NCH)
            def _():
                pltpu.sync_copy(e4.at[s, j + 2], idx_a)
                pltpu.async_copy(h.at[idx_a.at[0]], rows_a, sem_a)

            pltpu.make_async_copy(h.at[idx_b.at[0]], rows_b, sem_b).wait()
            pltpu.sync_copy(rows_b, acc_sh.at[idx_b.at[1]], add=True)
            return 0

        lax.fori_loop(0, NCH // 2, body, 0)

    @pl.when(c == 0)
    def _():
        edge_loop(h1)

    @pl.when(c == 1)
    def _():
        edge_loop(h2)

    plsc.subcore_barrier()

    @pl.when(c == 0)
    def _():
        pltpu.sync_copy(acc_sh.at[pl.ds(base, RPT)], s1_out.at[pl.ds(base, RPT)])

    @pl.when(c == 1)
    def _():
        pltpu.sync_copy(acc_sh.at[pl.ds(base, RPT)], s2_out.at[pl.ds(base, RPT)])



def _mm2_body(s1_ref, s2_ref, dinv_ref, w2a_ref, w2b_ref, b2_ref, g_ref):
    dinv = dinv_ref[...]
    ra = jnp.maximum(dinv * s1_ref[...], 0.0)
    rb = jnp.maximum(dinv * s2_ref[...], 0.0)
    t = (jnp.dot(ra, w2a_ref[...], preferred_element_type=jnp.float32)
         + jnp.dot(rb, w2b_ref[...], preferred_element_type=jnp.float32))
    g_ref[...] = dinv * (t + b2_ref[...])


_mm2 = pl.pallas_call(
    _mm2_body,
    grid=(N_PAD // BLK,),
    in_specs=[
        pl.BlockSpec((BLK, D_HALF), lambda i: (i, 0)),
        pl.BlockSpec((BLK, D_HALF), lambda i: (i, 0)),
        pl.BlockSpec((BLK, 1), lambda i: (i, 0)),
        pl.BlockSpec((D_HALF, 1), lambda i: (0, 0)),
        pl.BlockSpec((D_HALF, 1), lambda i: (0, 0)),
        pl.BlockSpec((1, 1), lambda i: (0, 0)),
    ],
    out_specs=pl.BlockSpec((BLK, 1), lambda i: (i, 0)),
    out_shape=jax.ShapeDtypeStruct((N_PAD, 1), jnp.float32),
)



@functools.partial(
    pl.kernel,
    out_type=jax.ShapeDtypeStruct((N_PAD,), jnp.float32),
    mesh=_mesh,
    scratch_types=[
        pltpu.VMEM((NCH, CHUNK), jnp.int32),
        pltpu.VMEM((NCH, CHUNK), jnp.int32),
        pltpu.VMEM((NCH, CHUNK), jnp.float32),
        pltpu.VMEM_SHARED((N_PAD,), jnp.float32),
        pltpu.VMEM((RPT,), jnp.float32),
        pltpu.VMEM((RPT,), jnp.float32),
        pltpu.VMEM((RPT,), jnp.float32),
        pltpu.SemaphoreType.DMA,
    ],
)
def _l2_kernel(src3, dst3, g_hbm, dinv_hbm, out_hbm,
               src2d, dst2d, vals, acc_sh, outb, gb, db, sem):
    c = lax.axis_index("c")
    s = lax.axis_index("s")

    @pl.when(c == 0)
    def _():
        pltpu.sync_copy(src3.at[s], src2d)
        pltpu.sync_copy(dst3.at[s], dst2d)

        def zb(i, _):
            outb[pl.ds(i * 16, 16)] = jnp.zeros((16,), jnp.float32)
            return 0

        lax.fori_loop(0, RPT // 16, zb, 0)
        pltpu.sync_copy(outb, acc_sh.at[pl.ds(s * RPT, RPT)])

    plsc.subcore_barrier()

    @pl.when(c == 0)
    def _():
        def gfire(j, _):
            pltpu.async_copy(g_hbm.at[src2d.at[j]], vals.at[j], sem)
            return 0

        lax.fori_loop(0, NCH, gfire, 0)

        def gdrain(j, _):
            pltpu.make_async_copy(g_hbm.at[src2d.at[0]], vals.at[0], sem).wait()
            return 0

        lax.fori_loop(0, NCH, gdrain, 0)

        def sfire(j, _):
            pltpu.async_copy(vals.at[j], acc_sh.at[dst2d.at[j]], sem, add=True)
            return 0

        lax.fori_loop(0, NCH, sfire, 0)

        def sdrain(j, _):
            pltpu.make_async_copy(vals.at[0], acc_sh.at[dst2d.at[0]], sem).wait()
            return 0

        lax.fori_loop(0, NCH, sdrain, 0)

    plsc.subcore_barrier()

    @pl.when(c == 0)
    def _():
        base = s * RPT
        pltpu.sync_copy(acc_sh.at[pl.ds(base, RPT)], outb)
        pltpu.sync_copy(g_hbm.at[pl.ds(base, RPT)], gb)
        pltpu.sync_copy(dinv_hbm.at[pl.ds(base, RPT)], db)

        def fb(v, _):
            sl = pl.ds(v * 16, 16)
            outb[sl] = (outb[sl] + gb[sl]) * db[sl]
            return 0

        lax.fori_loop(0, RPT // 16, fb, 0)
        pltpu.sync_copy(outb, out_hbm.at[pl.ds(base, RPT)])



def kernel(x, edge_index, W1, b1, W2, b2):
    src = edge_index[0]
    dst = edge_index[1]
    pad = E_PAD - E_RAW
    srcp = jnp.concatenate([src, jnp.zeros((pad,), src.dtype)])
    dstp = jnp.concatenate([dst, jnp.full((pad,), JUNK_ROW, dst.dtype)])
    src3 = srcp.reshape(TILES, NCH, CHUNK)
    dst3 = dstp.reshape(TILES, NCH, CHUNK)
    e4 = jnp.stack([src3, dst3], axis=2)
    x_pad = jnp.zeros((N_PAD, x.shape[1]), x.dtype).at[:N_NODES].set(x)
    deg = _deg_kernel(dst3)
    h1, h2, dinv2 = _mm1(x_pad, W1, b1.reshape(1, -1), deg.reshape(N_PAD, 1))
    s1, s2 = _agg_kernel(h1, h2, e4)
    g2 = _mm2(s1, s2, dinv2, W2[:D_HALF], W2[D_HALF:], b2.reshape(1, 1))
    outp = _l2_kernel(src3, dst3, g2.reshape(N_PAD), dinv2.reshape(N_PAD))
    return outp[:N_NODES].reshape(N_NODES, 1)

# --- scband reference (transcript-rebuilt; emitter-appended) ---
"""Pipeline reference for scband-hpgcn-17119739641940 (READ-ONLY COPY).

The authoritative reference and input builder live on the scoring server;
editing this copy changes nothing except your own understanding.
"""

import jax, jax.numpy as jnp
import numpy as np

N_NODES, N_EDGES, D_FEAT, D_HID, N_CLASSES = 10000, 320000, 128, 256, 1


def gcn_conv(x, edge_index, W, b):
    # GCNConv: linear transform, add self-loops, symmetric deg^-1/2 normalization, scatter-add aggregation
    N = x.shape[0]
    h = x @ W + b
    loops = jnp.arange(N, dtype=edge_index.dtype)
    src = jnp.concatenate([edge_index[0], loops])
    dst = jnp.concatenate([edge_index[1], loops])
    deg = jnp.bincount(dst, length=N).astype(h.dtype)
    dinv = jnp.where(deg > 0, jax.lax.rsqrt(deg), 0.0)
    norm = dinv[src] * dinv[dst]
    msg = h[src] * norm[:, None]
    return jax.ops.segment_sum(msg, dst, num_segments=N)


def setup_inputs(seed: int = 0) -> dict:
    key = jax.random.key(seed)
    k1, k2, k3, k4, k5, k6 = jax.random.split(key, 6)
    x = jax.random.normal(k1, (N_NODES, D_FEAT), dtype=jnp.float32)
    edge_index = jax.random.randint(k2, (2, N_EDGES), 0, N_NODES)
    W1 = jax.random.normal(k3, (D_FEAT, D_HID), dtype=jnp.float32) * (1.0 / np.sqrt(D_FEAT))
    b1 = jnp.zeros((D_HID,), dtype=jnp.float32)
    W2 = jax.random.normal(k4, (D_HID, N_CLASSES), dtype=jnp.float32) * (1.0 / np.sqrt(D_HID))
    b2 = jnp.zeros((N_CLASSES,), dtype=jnp.float32)
    return {"x": x, "edge_index": edge_index, "W1": W1, "b1": b1, "W2": W2, "b2": b2}


def reference(x, edge_index, W1, b1, W2, b2):
    h = jax.nn.relu(gcn_conv(x, edge_index, W1, b1))
    # dropout p=0.0 is identity
    out = gcn_conv(h, edge_index, W2, b2)
    return out

if __name__ == "__main__":
    import jax
    _d = setup_inputs()
    print(jax.jit(kernel)(*tuple(_d.values())))

</pallas_src>

<mosaic_0001>
#map = affine_map<(d0, d1) -> (0, 0, 0)>
#map1 = affine_map<(d0, d1) -> (0)>
module attributes {stable_mosaic.version = 14 : i64} {
  func.func @_deg_kernel(%arg0: i32, %arg1: i32, %arg2: memref<16x160x128xi32, #tpu.memory_space<hbm>>, %arg3: memref<10240xf32, #tpu.memory_space<hbm>>, %arg4: memref<160x128xi32, #tpu.memory_space<vmem>>, %arg5: memref<128xf32, #tpu.memory_space<vmem>>, %arg6: memref<10240xf32, #tpu.memory_space<vmem_shared>>, %arg7: memref<640xf32, #tpu.memory_space<vmem>>, %arg8: memref<!tpu.dma_semaphore, #tpu.memory_space<semaphore_mem>>) attributes {dimension_semantics = [#tpu.dimension_semantics<core_parallel>, #tpu.dimension_semantics<subcore_parallel>], iteration_bounds = array<i64: 2, 16>, scalar_prefetch = 0 : i64, scratch_operands = 5 : i64, tpu.core_type = #tpu.core_type<sc_vector_subcore>, window_params = [{transform_indices = #map}, {transform_indices = #map1}]} {
    %eq3A = arith.constant 0 : i32
    %eq3A_0 = arith.cmpi eq, %arg0, %eq3A : i32
    %convert_element_type3A = arith.extui %eq3A_0 : i1 to i32
    %cond3A = arith.constant 0 : i32
    %cond3A_1 = arith.cmpi ne, %convert_element_type3A, %cond3A : i32
    scf.if %cond3A_1 {
      "tpu.region"() ({
        %run_scoped3A = tpu.sem_alloc : memref<!tpu.dma_semaphore, #tpu.memory_space<semaphore_mem>>
        %dma_start3A = arith.constant 0 : i32
        %dma_start3A_66 = arith.constant 0 : i32
        %dma_start3A_67 = tpu.memref_slice %arg2[%arg1, %dma_start3A, %dma_start3A_66] : memref<16x160x128xi32, #tpu.memory_space<hbm>> -> memref<1x160x128xi32, #tpu.memory_space<hbm>>
        %dma_start3A_68 = tpu.memref_squeeze %dma_start3A_67 : memref<1x160x128xi32, #tpu.memory_space<hbm>> -> memref<160x128xi32, #tpu.memory_space<hbm>>
        %dma_start3A_69 = arith.constant 0 : i32
        %dma_start3A_70 = arith.constant 0 : i32
        %dma_start3A_71 = tpu.memref_slice %arg2[%arg1, %dma_start3A_69, %dma_start3A_70] : memref<16x160x128xi32, #tpu.memory_space<hbm>> -> memref<1x160x128xi32, #tpu.memory_space<hbm>>
        %dma_start3A_72 = tpu.memref_squeeze %dma_start3A_71 : memref<1x160x128xi32, #tpu.memory_space<hbm>> -> memref<160x128xi32, #tpu.memory_space<hbm>>
        tpu.enqueue_dma source(%dma_start3A_72 : memref<160x128xi32, #tpu.memory_space<hbm>>) target(%arg4 : memref<160x128xi32, #tpu.memory_space<vmem>>) target_semaphore(%run_scoped3A : memref<!tpu.dma_semaphore, #tpu.memory_space<semaphore_mem>>)
        %dma_wait3A = arith.constant 0 : i32
        %dma_wait3A_73 = arith.constant 0 : i32
        %dma_wait3A_74 = tpu.memref_slice %arg2[%arg1, %dma_wait3A, %dma_wait3A_73] : memref<16x160x128xi32, #tpu.memory_space<hbm>> -> memref<1x160x128xi32, #tpu.memory_space<hbm>>
        %dma_wait3A_75 = tpu.memref_squeeze %dma_wait3A_74 : memref<1x160x128xi32, #tpu.memory_space<hbm>> -> memref<160x128xi32, #tpu.memory_space<hbm>>
        %dma_wait3A_76 = arith.constant 0 : i32
        %dma_wait3A_77 = arith.constant 0 : i32
        %dma_wait3A_78 = tpu.memref_slice %arg2[%arg1, %dma_wait3A_76, %dma_wait3A_77] : memref<16x160x128xi32, #tpu.memory_space<hbm>> -> memref<1x160x128xi32, #tpu.memory_space<hbm>>
        %dma_wait3A_79 = tpu.memref_squeeze %dma_wait3A_78 : memref<1x160x128xi32, #tpu.memory_space<hbm>> -> memref<160x128xi32, #tpu.memory_space<hbm>>
        tpu.wait_dma2 semaphore(%run_scoped3A : memref<!tpu.dma_semaphore, #tpu.memory_space<semaphore_mem>>) src(%dma_wait3A_79 : memref<160x128xi32, #tpu.memory_space<hbm>>) dst(%arg4 : memref<160x128xi32, #tpu.memory_space<vmem>>)
        tpu.yield
      }) : () -> ()
      %broadcast_in_dim3A = arith.constant 1.000000e+00 : f32
      %broadcast_in_dim3A_13 = vector.broadcast %broadcast_in_dim3A : f32 to vector<16xf32>
      %swap3A = arith.constant 0 : index
      %swap3A_14 = tpu.vector_load %arg5[%swap3A] {strides = array<i32>} : memref<128xf32, #tpu.memory_space<vmem>>, vector<16xf32>,
      %swap3A_15 = vector.shape_cast %swap3A_14 : vector<16xf32> to vector<16xf32>
      %swap3A_16 = vector.shape_cast %broadcast_in_dim3A_13 : vector<16xf32> to vector<16xf32>
      tpu.vector_store %arg5[%swap3A], %swap3A_16 {strides = array<i32>} : memref<128xf32, #tpu.memory_space<vmem>>, vector<16xf32>,
      %broadcast_in_dim3A_17 = arith.constant 1.000000e+00 : f32
      %broadcast_in_dim3A_18 = vector.broadcast %broadcast_in_dim3A_17 : f32 to vector<16xf32>
      %swap3A_19 = arith.constant 16 : index
      %swap3A_20 = tpu.vector_load %arg5[%swap3A_19] {strides = array<i32>} : memref<128xf32, #tpu.memory_space<vmem>>, vector<16xf32>,
      %swap3A_21 = vector.shape_cast %swap3A_20 : vector<16xf32> to vector<16xf32>
      %swap3A_22 = vector.shape_cast %broadcast_in_dim3A_18 : vector<16xf32> to vector<16xf32>
      tpu.vector_store %arg5[%swap3A_19], %swap3A_22 {strides = array<i32>} : memref<128xf32, #tpu.memory_space<vmem>>, vector<16xf32>,
      %broadcast_in_dim3A_23 = arith.constant 1.000000e+00 : f32
      %broadcast_in_dim3A_24 = vector.broadcast %broadcast_in_dim3A_23 : f32 to vector<16xf32>
      %swap3A_25 = arith.constant 32 : index
      %swap3A_26 = tpu.vector_load %arg5[%swap3A_25] {strides = array<i32>} : memref<128xf32, #tpu.memory_space<vmem>>, vector<16xf32>,
      %swap3A_27 = vector.shape_cast %swap3A_26 : vector<16xf32> to vector<16xf32>
      %swap3A_28 = vector.shape_cast %broadcast_in_dim3A_24 : vector<16xf32> to vector<16xf32>
      tpu.vector_store %arg5[%swap3A_25], %swap3A_28 {strides = array<i32>} : memref<128xf32, #tpu.memory_space<vmem>>, vector<16xf32>,
      %broadcast_in_dim3A_29 = arith.constant 1.000000e+00 : f32
      %broadcast_in_dim3A_30 = vector.broadcast %broadcast_in_dim3A_29 : f32 to vector<16xf32>
      %swap3A_31 = arith.constant 48 : index
      %swap3A_32 = tpu.vector_load %arg5[%swap3A_31] {strides = array<i32>} : memref<128xf32, #tpu.memory_space<vmem>>, vector<16xf32>,
      %swap3A_33 = vector.shape_cast %swap3A_32 : vector<16xf32> to vector<16xf32>
      %swap3A_34 = vector.shape_cast %broadcast_in_dim3A_30 : vector<16xf32> to vector<16xf32>
      tpu.vector_store %arg5[%swap3A_31], %swap3A_34 {strides = array<i32>} : memref<128xf32, #tpu.memory_space<vmem>>, vector<16xf32>,
      %broadcast_in_dim3A_35 = arith.constant 1.000000e+00 : f32
      %broadcast_in_dim3A_36 = vector.broadcast %broadcast_in_dim3A_35 : f32 to vector<16xf32>
      %swap3A_37 = arith.constant 64 : index
      %swap3A_38 = tpu.vector_load %arg5[%swap3A_37] {strides = array<i32>} : memref<128xf32, #tpu.memory_space<vmem>>, vector<16xf32>,
      %swap3A_39 = vector.shape_cast %swap3A_38 : vector<16xf32> to vector<16xf32>
      %swap3A_40 = vector.shape_cast %broadcast_in_dim3A_36 : vector<16xf32> to vector<16xf32>
      tpu.vector_store %arg5[%swap3A_37], %swap3A_40 {strides = array<i32>} : memref<128xf32, #tpu.memory_space<vmem>>, vector<16xf32>,
      %broadcast_in_dim3A_41 = arith.constant 1.000000e+00 : f32
      %broadcast_in_dim3A_42 = vector.broadcast %broadcast_in_dim3A_41 : f32 to vector<16xf32>
      %swap3A_43 = arith.constant 80 : index
      %swap3A_44 = tpu.vector_load %arg5[%swap3A_43] {strides = array<i32>} : memref<128xf32, #tpu.memory_space<vmem>>, vector<16xf32>,
      %swap3A_45 = vector.shape_cast %swap3A_44 : vector<16xf32> to vector<16xf32>
      %swap3A_46 = vector.shape_cast %broadcast_in_dim3A_42 : vector<16xf32> to vector<16xf32>
      tpu.vector_store %arg5[%swap3A_43], %swap3A_46 {strides = array<i32>} : memref<128xf32, #tpu.memory_space<vmem>>, vector<16xf32>,
      %broadcast_in_dim3A_47 = arith.constant 1.000000e+00 : f32
      %broadcast_in_dim3A_48 = vector.broadcast %broadcast_in_dim3A_47 : f32 to vector<16xf32>
      %swap3A_49 = arith.constant 96 : index
      %swap3A_50 = tpu.vector_load %arg5[%swap3A_49] {strides = array<i32>} : memref<128xf32, #tpu.memory_space<vmem>>, vector<16xf32>,
      %swap3A_51 = vector.shape_cast %swap3A_50 : vector<16xf32> to vector<16xf32>
      %swap3A_52 = vector.shape_cast %broadcast_in_dim3A_48 : vector<16xf32> to vector<16xf32>
      tpu.vector_store %arg5[%swap3A_49], %swap3A_52 {strides = array<i32>} : memref<128xf32, #tpu.memory_space<vmem>>, vector<16xf32>,
      %broadcast_in_dim3A_53 = arith.constant 1.000000e+00 : f32
      %broadcast_in_dim3A_54 = vector.broadcast %broadcast_in_dim3A_53 : f32 to vector<16xf32>
      %swap3A_55 = arith.constant 112 : index
      %swap3A_56 = tpu.vector_load %arg5[%swap3A_55] {strides = array<i32>} : memref<128xf32, #tpu.memory_space<vmem>>, vector<16xf32>,
      %swap3A_57 = vector.shape_cast %swap3A_56 : vector<16xf32> to vector<16xf32>
      %swap3A_58 = vector.shape_cast %broadcast_in_dim3A_54 : vector<16xf32> to vector<16xf32>
      tpu.vector_store %arg5[%swap3A_55], %swap3A_58 {strides = array<i32>} : memref<128xf32, #tpu.memory_space<vmem>>, vector<16xf32>,
      %scan3A = arith.constant 0 : i32
      %scan3A_59 = arith.constant 0 : i32
      %scan3A_60 = arith.constant 40 : i32
      %scan3A_61 = arith.addi %scan3A_59, %scan3A_60 : i32
      %scan3A_62 = arith.constant 1 : i32
      %scan3A_63 = scf.for %scan3A_66 = %scan3A_59 to %scan3A_61 step %scan3A_62 iter_args(%scan3A_67 = %scan3A) -> (i32)  : i32 {
        %broadcast_in_dim3A_68 = arith.constant 0.000000e+00 : f32
        %broadcast_in_dim3A_69 = vector.broadcast %broadcast_in_dim3A_68 : f32 to vector<16xf32>
        %mul3A_70 = arith.constant 16 : i32
        %mul3A_71 = arith.muli %scan3A_66, %mul3A_70 : i32
        %swap3A_72 = arith.index_cast %mul3A_71 : i32 to index
        %swap3A_73 = tpu.vector_load %arg7[%swap3A_72] {strides = array<i32>} : memref<640xf32, #tpu.memory_space<vmem>>, vector<16xf32>,
        %swap3A_74 = vector.shape_cast %swap3A_73 : vector<16xf32> to vector<16xf32>
        %swap3A_75 = vector.shape_cast %broadcast_in_dim3A_69 : vector<16xf32> to vector<16xf32>
        tpu.vector_store %arg7[%swap3A_72], %swap3A_75 {strides = array<i32>} : memref<640xf32, #tpu.memory_space<vmem>>, vector<16xf32>,
        %scan3A_76 = arith.constant 0 : i32
        scf.yield %scan3A_76 : i32
      }
      %scan3A_64 = arith.constant 40 : i32
      %mul3A = arith.constant 640 : i32
      %mul3A_65 = arith.muli %arg1, %mul3A : i32
      "tpu.region"() ({
        %run_scoped3A = tpu.sem_alloc : memref<!tpu.dma_semaphore, #tpu.memory_space<semaphore_mem>>
        %dma_start3A = tpu.memref_slice %arg6[%mul3A_65] : memref<10240xf32, #tpu.memory_space<vmem_shared>> -> memref<640xf32, #tpu.memory_space<vmem_shared>>
        %dma_start3A_66 = tpu.memref_slice %arg6[%mul3A_65] : memref<10240xf32, #tpu.memory_space<vmem_shared>> -> memref<640xf32, #tpu.memory_space<vmem_shared>>
        tpu.enqueue_dma source(%arg7 : memref<640xf32, #tpu.memory_space<vmem>>) target(%dma_start3A_66 : memref<640xf32, #tpu.memory_space<vmem_shared>>) target_semaphore(%run_scoped3A : memref<!tpu.dma_semaphore, #tpu.memory_space<semaphore_mem>>)
        %dma_wait3A = tpu.memref_slice %arg6[%mul3A_65] : memref<10240xf32, #tpu.memory_space<vmem_shared>> -> memref<640xf32, #tpu.memory_space<vmem_shared>>
        %dma_wait3A_67 = tpu.memref_slice %arg6[%mul3A_65] : memref<10240xf32, #tpu.memory_space<vmem_shared>> -> memref<640xf32, #tpu.memory_space<vmem_shared>>
        tpu.wait_dma2 semaphore(%run_scoped3A : memref<!tpu.dma_semaphore, #tpu.memory_space<semaphore_mem>>) src(%arg7 : memref<640xf32, #tpu.memory_space<vmem>>) dst(%dma_wait3A_67 : memref<640xf32, #tpu.memory_space<vmem_shared>>)
        tpu.yield
      }) : () -> ()
    } else {
    }
    %barrier3A = arith.constant 0 : index
    tpu.barrier barrier_id(%barrier3A)
    %eq3A_2 = arith.constant 0 : i32
    %eq3A_3 = arith.cmpi eq, %arg0, %eq3A_2 : i32
    %convert_element_type3A_4 = arith.extui %eq3A_3 : i1 to i32
    %cond3A_5 = arith.constant 0 : i32
    %cond3A_6 = arith.cmpi ne, %convert_element_type3A_4, %cond3A_5 : i32
    scf.if %cond3A_6 {
      %scan3A = arith.constant 0 : i32
      %scan3A_13 = arith.constant 0 : i32
      %scan3A_14 = arith.constant 160 : i32
      %scan3A_15 = arith.addi %scan3A_13, %scan3A_14 : i32
      %scan3A_16 = arith.constant 1 : i32
      %scan3A_17 = scf.for %scan3A_26 = %scan3A_13 to %scan3A_15 step %scan3A_16 iter_args(%scan3A_27 = %scan3A) -> (i32)  : i32 {
        %dma_start3A = arith.constant 0 : i32
        %dma_start3A_28 = tpu.memref_slice %arg4[%scan3A_26, %dma_start3A] : memref<160x128xi32, #tpu.memory_space<vmem>> -> memref<1x128xi32, #tpu.memory_space<vmem>>
        %dma_start3A_29 = tpu.memref_squeeze %dma_start3A_28 : memref<1x128xi32, #tpu.memory_space<vmem>> -> memref<128xi32, #tpu.memory_space<vmem>>
        %dma_start3A_30 = arith.constant 0 : i32
        %dma_start3A_31 = tpu.memref_slice %arg6[%dma_start3A_30] : memref<10240xf32, #tpu.memory_space<vmem_shared>> -> memref<10240xf32, #tpu.memory_space<vmem_shared>>
        tpu.enqueue_indirect_dma source(%arg5 : memref<128xf32, #tpu.memory_space<vmem>>) target(%dma_start3A_31 : memref<10240xf32, #tpu.memory_space<vmem_shared>>) offsets(%dma_start3A_29 : memref<128xi32, #tpu.memory_space<vmem>>) semaphore(%arg8 : memref<!tpu.dma_semaphore, #tpu.memory_space<semaphore_mem>>) {add = true}
        %scan3A_32 = arith.constant 0 : i32
        scf.yield %scan3A_32 : i32
      }
      %scan3A_18 = arith.constant 160 : i32
      %scan3A_19 = arith.constant 0 : i32
      %scan3A_20 = arith.constant 0 : i32
      %scan3A_21 = arith.constant 160 : i32
      %scan3A_22 = arith.addi %scan3A_20, %scan3A_21 : i32
      %scan3A_23 = arith.constant 1 : i32
      %scan3A_24 = scf.for %scan3A_26 = %scan3A_20 to %scan3A_22 step %scan3A_23 iter_args(%scan3A_27 = %scan3A_19) -> (i32)  : i32 {
        %dma_wait3A = arith.constant 0 : i32
        %dma_wait3A_28 = arith.constant 0 : i32
        %dma_wait3A_29 = tpu.memref_slice %arg4[%dma_wait3A, %dma_wait3A_28] : memref<160x128xi32, #tpu.memory_space<vmem>> -> memref<1x128xi32, #tpu.memory_space<vmem>>
        %dma_wait3A_30 = tpu.memref_squeeze %dma_wait3A_29 : memref<1x128xi32, #tpu.memory_space<vmem>> -> memref<128xi32, #tpu.memory_space<vmem>>
        %dma_wait3A_31 = arith.constant 0 : i32
        %dma_wait3A_32 = tpu.memref_slice %arg6[%dma_wait3A_31] : memref<10240xf32, #tpu.memory_space<vmem_shared>> -> memref<10240xf32, #tpu.memory_space<vmem_shared>>
        tpu.wait_indirect_dma semaphore(%arg8 : memref<!tpu.dma_semaphore, #tpu.memory_space<semaphore_mem>>) src(%arg5 : memref<128xf32, #tpu.memory_space<vmem>>) dst(%dma_wait3A_32 : memref<10240xf32, #tpu.memory_space<vmem_shared>>)
        %scan3A_33 = arith.constant 0 : i32
        scf.yield %scan3A_33 : i32
      }
      %scan3A_25 = arith.constant 160 : i32
    } else {
    }
    %barrier3A_7 = arith.constant 0 : index
    tpu.barrier barrier_id(%barrier3A_7)
    %eq3A_8 = arith.constant 0 : i32
    %eq3A_9 = arith.cmpi eq, %arg0, %eq3A_8 : i32
    %convert_element_type3A_10 = arith.extui %eq3A_9 : i1 to i32
    %cond3A_11 = arith.constant 0 : i32
    %cond3A_12 = arith.cmpi ne, %convert_element_type3A_10, %cond3A_11 : i32
    scf.if %cond3A_12 {
      %mul3A = arith.constant 640 : i32
      %mul3A_13 = arith.muli %arg1, %mul3A : i32
      "tpu.region"() ({
        %run_scoped3A = tpu.sem_alloc : memref<!tpu.dma_semaphore, #tpu.memory_space<semaphore_mem>>
        %dma_start3A = tpu.memref_slice %arg6[%mul3A_13] : memref<10240xf32, #tpu.memory_space<vmem_shared>> -> memref<640xf32, #tpu.memory_space<vmem_shared>>
        %dma_start3A_20 = tpu.memref_slice %arg6[%mul3A_13] : memref<10240xf32, #tpu.memory_space<vmem_shared>> -> memref<640xf32, #tpu.memory_space<vmem_shared>>
        tpu.enqueue_dma source(%dma_start3A_20 : memref<640xf32, #tpu.memory_space<vmem_shared>>) target(%arg7 : memref<640xf32, #tpu.memory_space<vmem>>) target_semaphore(%run_scoped3A : memref<!tpu.dma_semaphore, #tpu.memory_space<semaphore_mem>>)
        %dma_wait3A = tpu.memref_slice %arg6[%mul3A_13] : memref<10240xf32, #tpu.memory_space<vmem_shared>> -> memref<640xf32, #tpu.memory_space<vmem_shared>>
        %dma_wait3A_21 = tpu.memref_slice %arg6[%mul3A_13] : memref<10240xf32, #tpu.memory_space<vmem_shared>> -> memref<640xf32, #tpu.memory_space<vmem_shared>>
        tpu.wait_dma2 semaphore(%run_scoped3A : memref<!tpu.dma_semaphore, #tpu.memory_space<semaphore_mem>>) src(%dma_wait3A_21 : memref<640xf32, #tpu.memory_space<vmem_shared>>) dst(%arg7 : memref<640xf32, #tpu.memory_space<vmem>>)
        tpu.yield
      }) : () -> ()
      %scan3A = arith.constant 0 : i32
      %scan3A_14 = arith.constant 0 : i32
      %scan3A_15 = arith.constant 40 : i32
      %scan3A_16 = arith.addi %scan3A_14, %scan3A_15 : i32
      %scan3A_17 = arith.constant 1 : i32
      %scan3A_18 = scf.for %scan3A_20 = %scan3A_14 to %scan3A_16 step %scan3A_17 iter_args(%scan3A_21 = %scan3A) -> (i32)  : i32 {
        %mul3A_22 = arith.constant 16 : i32
        %mul3A_23 = arith.muli %scan3A_20, %mul3A_22 : i32
        %get3A = arith.index_cast %mul3A_23 : i32 to index
        %get3A_24 = tpu.vector_load %arg7[%get3A] {strides = array<i32>} : memref<640xf32, #tpu.memory_space<vmem>>, vector<16xf32>,
        %get3A_25 = vector.shape_cast %get3A_24 : vector<16xf32> to vector<16xf32>
        %add3A = arith.constant 1.000000e+00 : f32
        %add3A_26 = vector.broadcast %add3A : f32 to vector<16xf32>
        %add3A_27 = arith.addf %get3A_25, %add3A_26 : vector<16xf32>
        %swap3A = arith.index_cast %mul3A_23 : i32 to index
        %swap3A_28 = tpu.vector_load %arg7[%swap3A] {strides = array<i32>} : memref<640xf32, #tpu.memory_space<vmem>>, vector<16xf32>,
        %swap3A_29 = vector.shape_cast %swap3A_28 : vector<16xf32> to vector<16xf32>
        %swap3A_30 = vector.shape_cast %add3A_27 : vector<16xf32> to vector<16xf32>
        tpu.vector_store %arg7[%swap3A], %swap3A_30 {strides = array<i32>} : memref<640xf32, #tpu.memory_space<vmem>>, vector<16xf32>,
        %scan3A_31 = arith.constant 0 : i32
        scf.yield %scan3A_31 : i32
      }
      %scan3A_19 = arith.constant 40 : i32
      "tpu.region"() ({
        %run_scoped3A = tpu.sem_alloc : memref<!tpu.dma_semaphore, #tpu.memory_space<semaphore_mem>>
        %dma_start3A = tpu.memref_slice %arg3[%mul3A_13] : memref<10240xf32, #tpu.memory_space<hbm>> -> memref<640xf32, #tpu.memory_space<hbm>>
        %dma_start3A_20 = tpu.memref_slice %arg3[%mul3A_13] : memref<10240xf32, #tpu.memory_space<hbm>> -> memref<640xf32, #tpu.memory_space<hbm>>
        tpu.enqueue_dma source(%arg7 : memref<640xf32, #tpu.memory_space<vmem>>) target(%dma_start3A_20 : memref<640xf32, #tpu.memory_space<hbm>>) target_semaphore(%run_scoped3A : memref<!tpu.dma_semaphore, #tpu.memory_space<semaphore_mem>>)
        %dma_wait3A = tpu.memref_slice %arg3[%mul3A_13] : memref<10240xf32, #tpu.memory_space<hbm>> -> memref<640xf32, #tpu.memory_space<hbm>>
        %dma_wait3A_21 = tpu.memref_slice %arg3[%mul3A_13] : memref<10240xf32, #tpu.memory_space<hbm>> -> memref<640xf32, #tpu.memory_space<hbm>>
        tpu.wait_dma2 semaphore(%run_scoped3A : memref<!tpu.dma_semaphore, #tpu.memory_space<semaphore_mem>>) src(%arg7 : memref<640xf32, #tpu.memory_space<vmem>>) dst(%dma_wait3A_21 : memref<640xf32, #tpu.memory_space<hbm>>)
        tpu.yield
      }) : () -> ()
    } else {
    }
    return
  }
}

#map = affine_map<(d0, d1) -> (0, 0, 0)>
#map1 = affine_map<(d0, d1) -> (0)>
module attributes {stable_mosaic.version = 14 : i64} {
  func.func @_l2_kernel(%arg0: i32, %arg1: i32, %arg2: memref<16x160x128xi32, #tpu.memory_space<hbm>>, %arg3: memref<16x160x128xi32, #tpu.memory_space<hbm>>, %arg4: memref<10240xf32, #tpu.memory_space<hbm>>, %arg5: memref<10240xf32, #tpu.memory_space<hbm>>, %arg6: memref<10240xf32, #tpu.memory_space<hbm>>, %arg7: memref<160x128xi32, #tpu.memory_space<vmem>>, %arg8: memref<160x128xi32, #tpu.memory_space<vmem>>, %arg9: memref<160x128xf32, #tpu.memory_space<vmem>>, %arg10: memref<10240xf32, #tpu.memory_space<vmem_shared>>, %arg11: memref<640xf32, #tpu.memory_space<vmem>>, %arg12: memref<640xf32, #tpu.memory_space<vmem>>, %arg13: memref<640xf32, #tpu.memory_space<vmem>>, %arg14: memref<!tpu.dma_semaphore, #tpu.memory_space<semaphore_mem>>) attributes {dimension_semantics = [#tpu.dimension_semantics<core_parallel>, #tpu.dimension_semantics<subcore_parallel>], iteration_bounds = array<i64: 2, 16>, scalar_prefetch = 0 : i64, scratch_operands = 8 : i64, tpu.core_type = #tpu.core_type<sc_vector_subcore>, window_params = [{transform_indices = #map}, {transform_indices = #map}, {transform_indices = #map1}, {transform_indices = #map1}, {transform_indices = #map1}]} {
    %eq3A = arith.constant 0 : i32
    %eq3A_0 = arith.cmpi eq, %arg0, %eq3A : i32
    %convert_element_type3A = arith.extui %eq3A_0 : i1 to i32
    %cond3A = arith.constant 0 : i32
    %cond3A_1 = arith.cmpi ne, %convert_element_type3A, %cond3A : i32
    scf.if %cond3A_1 {
      "tpu.region"() ({
        %run_scoped3A = tpu.sem_alloc : memref<!tpu.dma_semaphore, #tpu.memory_space<semaphore_mem>>
        %dma_start3A = arith.constant 0 : i32
        %dma_start3A_20 = arith.constant 0 : i32
        %dma_start3A_21 = tpu.memref_slice %arg2[%arg1, %dma_start3A, %dma_start3A_20] : memref<16x160x128xi32, #tpu.memory_space<hbm>> -> memref<1x160x128xi32, #tpu.memory_space<hbm>>
        %dma_start3A_22 = tpu.memref_squeeze %dma_start3A_21 : memref<1x160x128xi32, #tpu.memory_space<hbm>> -> memref<160x128xi32, #tpu.memory_space<hbm>>
        %dma_start3A_23 = arith.constant 0 : i32
        %dma_start3A_24 = arith.constant 0 : i32
        %dma_start3A_25 = tpu.memref_slice %arg2[%arg1, %dma_start3A_23, %dma_start3A_24] : memref<16x160x128xi32, #tpu.memory_space<hbm>> -> memref<1x160x128xi32, #tpu.memory_space<hbm>>
        %dma_start3A_26 = tpu.memref_squeeze %dma_start3A_25 : memref<1x160x128xi32, #tpu.memory_space<hbm>> -> memref<160x128xi32, #tpu.memory_space<hbm>>
        tpu.enqueue_dma source(%dma_start3A_26 : memref<160x128xi32, #tpu.memory_space<hbm>>) target(%arg7 : memref<160x128xi32, #tpu.memory_space<vmem>>) target_semaphore(%run_scoped3A : memref<!tpu.dma_semaphore, #tpu.memory_space<semaphore_mem>>)
        %dma_wait3A = arith.constant 0 : i32
        %dma_wait3A_27 = arith.constant 0 : i32
        %dma_wait3A_28 = tpu.memref_slice %arg2[%arg1, %dma_wait3A, %dma_wait3A_27] : memref<16x160x128xi32, #tpu.memory_space<hbm>> -> memref<1x160x128xi32, #tpu.memory_space<hbm>>
        %dma_wait3A_29 = tpu.memref_squeeze %dma_wait3A_28 : memref<1x160x128xi32, #tpu.memory_space<hbm>> -> memref<160x128xi32, #tpu.memory_space<hbm>>
        %dma_wait3A_30 = arith.constant 0 : i32
        %dma_wait3A_31 = arith.constant 0 : i32
        %dma_wait3A_32 = tpu.memref_slice %arg2[%arg1, %dma_wait3A_30, %dma_wait3A_31] : memref<16x160x128xi32, #tpu.memory_space<hbm>> -> memref<1x160x128xi32, #tpu.memory_space<hbm>>
        %dma_wait3A_33 = tpu.memref_squeeze %dma_wait3A_32 : memref<1x160x128xi32, #tpu.memory_space<hbm>> -> memref<160x128xi32, #tpu.memory_space<hbm>>
        tpu.wait_dma2 semaphore(%run_scoped3A : memref<!tpu.dma_semaphore, #tpu.memory_space<semaphore_mem>>) src(%dma_wait3A_33 : memref<160x128xi32, #tpu.memory_space<hbm>>) dst(%arg7 : memref<160x128xi32, #tpu.memory_space<vmem>>)
        tpu.yield
      }) : () -> ()
      "tpu.region"() ({
        %run_scoped3A = tpu.sem_alloc : memref<!tpu.dma_semaphore, #tpu.memory_space<semaphore_mem>>
        %dma_start3A = arith.constant 0 : i32
        %dma_start3A_20 = arith.constant 0 : i32
        %dma_start3A_21 = tpu.memref_slice %arg3[%arg1, %dma_start3A, %dma_start3A_20] : memref<16x160x128xi32, #tpu.memory_space<hbm>> -> memref<1x160x128xi32, #tpu.memory_space<hbm>>
        %dma_start3A_22 = tpu.memref_squeeze %dma_start3A_21 : memref<1x160x128xi32, #tpu.memory_space<hbm>> -> memref<160x128xi32, #tpu.memory_space<hbm>>
        %dma_start3A_23 = arith.constant 0 : i32
        %dma_start3A_24 = arith.constant 0 : i32
        %dma_start3A_25 = tpu.memref_slice %arg3[%arg1, %dma_start3A_23, %dma_start3A_24] : memref<16x160x128xi32, #tpu.memory_space<hbm>> -> memref<1x160x128xi32, #tpu.memory_space<hbm>>
        %dma_start3A_26 = tpu.memref_squeeze %dma_start3A_25 : memref<1x160x128xi32, #tpu.memory_space<hbm>> -> memref<160x128xi32, #tpu.memory_space<hbm>>
        tpu.enqueue_dma source(%dma_start3A_26 : memref<160x128xi32, #tpu.memory_space<hbm>>) target(%arg8 : memref<160x128xi32, #tpu.memory_space<vmem>>) target_semaphore(%run_scoped3A : memref<!tpu.dma_semaphore, #tpu.memory_space<semaphore_mem>>)
        %dma_wait3A = arith.constant 0 : i32
        %dma_wait3A_27 = arith.constant 0 : i32
        %dma_wait3A_28 = tpu.memref_slice %arg3[%arg1, %dma_wait3A, %dma_wait3A_27] : memref<16x160x128xi32, #tpu.memory_space<hbm>> -> memref<1x160x128xi32, #tpu.memory_space<hbm>>
        %dma_wait3A_29 = tpu.memref_squeeze %dma_wait3A_28 : memref<1x160x128xi32, #tpu.memory_space<hbm>> -> memref<160x128xi32, #tpu.memory_space<hbm>>
        %dma_wait3A_30 = arith.constant 0 : i32
        %dma_wait3A_31 = arith.constant 0 : i32
        %dma_wait3A_32 = tpu.memref_slice %arg3[%arg1, %dma_wait3A_30, %dma_wait3A_31] : memref<16x160x128xi32, #tpu.memory_space<hbm>> -> memref<1x160x128xi32, #tpu.memory_space<hbm>>
        %dma_wait3A_33 = tpu.memref_squeeze %dma_wait3A_32 : memref<1x160x128xi32, #tpu.memory_space<hbm>> -> memref<160x128xi32, #tpu.memory_space<hbm>>
        tpu.wait_dma2 semaphore(%run_scoped3A : memref<!tpu.dma_semaphore, #tpu.memory_space<semaphore_mem>>) src(%dma_wait3A_33 : memref<160x128xi32, #tpu.memory_space<hbm>>) dst(%arg8 : memref<160x128xi32, #tpu.memory_space<vmem>>)
        tpu.yield
      }) : () -> ()
      %scan3A = arith.constant 0 : i32
      %scan3A_13 = arith.constant 0 : i32
      %scan3A_14 = arith.constant 40 : i32
      %scan3A_15 = arith.addi %scan3A_13, %scan3A_14 : i32
      %scan3A_16 = arith.constant 1 : i32
      %scan3A_17 = scf.for %scan3A_20 = %scan3A_13 to %scan3A_15 step %scan3A_16 iter_args(%scan3A_21 = %scan3A) -> (i32)  : i32 {
        %broadcast_in_dim3A = arith.constant 0.000000e+00 : f32
        %broadcast_in_dim3A_22 = vector.broadcast %broadcast_in_dim3A : f32 to vector<16xf32>
        %mul3A_23 = arith.constant 16 : i32
        %mul3A_24 = arith.muli %scan3A_20, %mul3A_23 : i32
        %swap3A = arith.index_cast %mul3A_24 : i32 to index
        %swap3A_25 = tpu.vector_load %arg11[%swap3A] {strides = array<i32>} : memref<640xf32, #tpu.memory_space<vmem>>, vector<16xf32>,
        %swap3A_26 = vector.shape_cast %swap3A_25 : vector<16xf32> to vector<16xf32>
        %swap3A_27 = vector.shape_cast %broadcast_in_dim3A_22 : vector<16xf32> to vector<16xf32>
        tpu.vector_store %arg11[%swap3A], %swap3A_27 {strides = array<i32>} : memref<640xf32, #tpu.memory_space<vmem>>, vector<16xf32>,
        %scan3A_28 = arith.constant 0 : i32
        scf.yield %scan3A_28 : i32
      }
      %scan3A_18 = arith.constant 40 : i32
      %mul3A = arith.constant 640 : i32
      %mul3A_19 = arith.muli %arg1, %mul3A : i32
      "tpu.region"() ({
        %run_scoped3A = tpu.sem_alloc : memref<!tpu.dma_semaphore, #tpu.memory_space<semaphore_mem>>
        %dma_start3A = tpu.memref_slice %arg10[%mul3A_19] : memref<10240xf32, #tpu.memory_space<vmem_shared>> -> memref<640xf32, #tpu.memory_space<vmem_shared>>
        %dma_start3A_20 = tpu.memref_slice %arg10[%mul3A_19] : memref<10240xf32, #tpu.memory_space<vmem_shared>> -> memref<640xf32, #tpu.memory_space<vmem_shared>>
        tpu.enqueue_dma source(%arg11 : memref<640xf32, #tpu.memory_space<vmem>>) target(%dma_start3A_20 : memref<640xf32, #tpu.memory_space<vmem_shared>>) target_semaphore(%run_scoped3A : memref<!tpu.dma_semaphore, #tpu.memory_space<semaphore_mem>>)
        %dma_wait3A = tpu.memref_slice %arg10[%mul3A_19] : memref<10240xf32, #tpu.memory_space<vmem_shared>> -> memref<640xf32, #tpu.memory_space<vmem_shared>>
        %dma_wait3A_21 = tpu.memref_slice %arg10[%mul3A_19] : memref<10240xf32, #tpu.memory_space<vmem_shared>> -> memref<640xf32, #tpu.memory_space<vmem_shared>>
        tpu.wait_dma2 semaphore(%run_scoped3A : memref<!tpu.dma_semaphore, #tpu.memory_space<semaphore_mem>>) src(%arg11 : memref<640xf32, #tpu.memory_space<vmem>>) dst(%dma_wait3A_21 : memref<640xf32, #tpu.memory_space<vmem_shared>>)
        tpu.yield
      }) : () -> ()
    } else {
    }
    %barrier3A = arith.constant 0 : index
    tpu.barrier barrier_id(%barrier3A)
    %eq3A_2 = arith.constant 0 : i32
    %eq3A_3 = arith.cmpi eq, %arg0, %eq3A_2 : i32
    %convert_element_type3A_4 = arith.extui %eq3A_3 : i1 to i32
    %cond3A_5 = arith.constant 0 : i32
    %cond3A_6 = arith.cmpi ne, %convert_element_type3A_4, %cond3A_5 : i32
    scf.if %cond3A_6 {
      %scan3A = arith.constant 0 : i32
      %scan3A_13 = arith.constant 0 : i32
      %scan3A_14 = arith.constant 160 : i32
      %scan3A_15 = arith.addi %scan3A_13, %scan3A_14 : i32
      %scan3A_16 = arith.constant 1 : i32
      %scan3A_17 = scf.for %scan3A_40 = %scan3A_13 to %scan3A_15 step %scan3A_16 iter_args(%scan3A_41 = %scan3A) -> (i32)  : i32 {
        %dma_start3A = arith.constant 0 : i32
        %dma_start3A_42 = tpu.memref_slice %arg9[%scan3A_40, %dma_start3A] : memref<160x128xf32, #tpu.memory_space<vmem>> -> memref<1x128xf32, #tpu.memory_space<vmem>>
        %dma_start3A_43 = tpu.memref_squeeze %dma_start3A_42 : memref<1x128xf32, #tpu.memory_space<vmem>> -> memref<128xf32, #tpu.memory_space<vmem>>
        %dma_start3A_44 = arith.constant 0 : i32
        %dma_start3A_45 = tpu.memref_slice %arg7[%scan3A_40, %dma_start3A_44] : memref<160x128xi32, #tpu.memory_space<vmem>> -> memref<1x128xi32, #tpu.memory_space<vmem>>
        %dma_start3A_46 = tpu.memref_squeeze %dma_start3A_45 : memref<1x128xi32, #tpu.memory_space<vmem>> -> memref<128xi32, #tpu.memory_space<vmem>>
        %dma_start3A_47 = arith.constant 0 : i32
        %dma_start3A_48 = tpu.memref_slice %arg4[%dma_start3A_47] : memref<10240xf32, #tpu.memory_space<hbm>> -> memref<10240xf32, #tpu.memory_space<hbm>>
        tpu.enqueue_indirect_dma source(%dma_start3A_48 : memref<10240xf32, #tpu.memory_space<hbm>>) target(%dma_start3A_43 : memref<128xf32, #tpu.memory_space<vmem>>) offsets(%dma_start3A_46 : memref<128xi32, #tpu.memory_space<vmem>>) semaphore(%arg14 : memref<!tpu.dma_semaphore, #tpu.memory_space<semaphore_mem>>)
        %scan3A_49 = arith.constant 0 : i32
        scf.yield %scan3A_49 : i32
      }
      %scan3A_18 = arith.constant 160 : i32
      %scan3A_19 = arith.constant 0 : i32
      %scan3A_20 = arith.constant 0 : i32
      %scan3A_21 = arith.constant 160 : i32
      %scan3A_22 = arith.addi %scan3A_20, %scan3A_21 : i32
      %scan3A_23 = arith.constant 1 : i32
      %scan3A_24 = scf.for %scan3A_40 = %scan3A_20 to %scan3A_22 step %scan3A_23 iter_args(%scan3A_41 = %scan3A_19) -> (i32)  : i32 {
        %dma_wait3A = arith.constant 0 : i32
        %dma_wait3A_42 = arith.constant 0 : i32
        %dma_wait3A_43 = arith.constant 0 : i32
        %dma_wait3A_44 = tpu.memref_slice %arg9[%dma_wait3A_42, %dma_wait3A_43] : memref<160x128xf32, #tpu.memory_space<vmem>> -> memref<1x128xf32, #tpu.memory_space<vmem>>
        %dma_wait3A_45 = tpu.memref_squeeze %dma_wait3A_44 : memref<1x128xf32, #tpu.memory_space<vmem>> -> memref<128xf32, #tpu.memory_space<vmem>>
        %dma_wait3A_46 = arith.constant 0 : i32
        %dma_wait3A_47 = tpu.memref_slice %arg7[%dma_wait3A, %dma_wait3A_46] : memref<160x128xi32, #tpu.memory_space<vmem>> -> memref<1x128xi32, #tpu.memory_space<vmem>>
        %dma_wait3A_48 = tpu.memref_squeeze %dma_wait3A_47 : memref<1x128xi32, #tpu.memory_space<vmem>> -> memref<128xi32, #tpu.memory_space<vmem>>
        %dma_wait3A_49 = arith.constant 0 : i32
        %dma_wait3A_50 = tpu.memref_slice %arg4[%dma_wait3A_49] : memref<10240xf32, #tpu.memory_space<hbm>> -> memref<10240xf32, #tpu.memory_space<hbm>>
        tpu.wait_indirect_dma semaphore(%arg14 : memref<!tpu.dma_semaphore, #tpu.memory_space<semaphore_mem>>) src(%dma_wait3A_50 : memref<10240xf32, #tpu.memory_space<hbm>>) dst(%dma_wait3A_45 : memref<128xf32, #tpu.memory_space<vmem>>)
        %scan3A_51 = arith.constant 0 : i32
        scf.yield %scan3A_51 : i32
      }
      %scan3A_25 = arith.constant 160 : i32
      %scan3A_26 = arith.constant 0 : i32
      %scan3A_27 = arith.constant 0 : i32
      %scan3A_28 = arith.constant 160 : i32
      %scan3A_29 = arith.addi %scan3A_27, %scan3A_28 : i32
      %scan3A_30 = arith.constant 1 : i32
      %scan3A_31 = scf.for %scan3A_40 = %scan3A_27 to %scan3A_29 step %scan3A_30 iter_args(%scan3A_41 = %scan3A_26) -> (i32)  : i32 {
        %dma_start3A = arith.constant 0 : i32
        %dma_start3A_42 = tpu.memref_slice %arg9[%scan3A_40, %dma_start3A] : memref<160x128xf32, #tpu.memory_space<vmem>> -> memref<1x128xf32, #tpu.memory_space<vmem>>
        %dma_start3A_43 = tpu.memref_squeeze %dma_start3A_42 : memref<1x128xf32, #tpu.memory_space<vmem>> -> memref<128xf32, #tpu.memory_space<vmem>>
        %dma_start3A_44 = arith.constant 0 : i32
        %dma_start3A_45 = tpu.memref_slice %arg8[%scan3A_40, %dma_start3A_44] : memref<160x128xi32, #tpu.memory_space<vmem>> -> memref<1x128xi32, #tpu.memory_space<vmem>>
        %dma_start3A_46 = tpu.memref_squeeze %dma_start3A_45 : memref<1x128xi32, #tpu.memory_space<vmem>> -> memref<128xi32, #tpu.memory_space<vmem>>
        %dma_start3A_47 = arith.constant 0 : i32
        %dma_start3A_48 = tpu.memref_slice %arg10[%dma_start3A_47] : memref<10240xf32, #tpu.memory_space<vmem_shared>> -> memref<10240xf32, #tpu.memory_space<vmem_shared>>
        tpu.enqueue_indirect_dma source(%dma_start3A_43 : memref<128xf32, #tpu.memory_space<vmem>>) target(%dma_start3A_48 : memref<10240xf32, #tpu.memory_space<vmem_shared>>) offsets(%dma_start3A_46 : memref<128xi32, #tpu.memory_space<vmem>>) semaphore(%arg14 : memref<!tpu.dma_semaphore, #tpu.memory_space<semaphore_mem>>) {add = true}
        %scan3A_49 = arith.constant 0 : i32
        scf.yield %scan3A_49 : i32
      }
      %scan3A_32 = arith.constant 160 : i32
      %scan3A_33 = arith.constant 0 : i32
      %scan3A_34 = arith.constant 0 : i32
      %scan3A_35 = arith.constant 160 : i32
      %scan3A_36 = arith.addi %scan3A_34, %scan3A_35 : i32
      %scan3A_37 = arith.constant 1 : i32
      %scan3A_38 = scf.for %scan3A_40 = %scan3A_34 to %scan3A_36 step %scan3A_37 iter_args(%scan3A_41 = %scan3A_33) -> (i32)  : i32 {
        %dma_wait3A = arith.constant 0 : i32
        %dma_wait3A_42 = arith.constant 0 : i32
        %dma_wait3A_43 = arith.constant 0 : i32
        %dma_wait3A_44 = tpu.memref_slice %arg9[%dma_wait3A, %dma_wait3A_43] : memref<160x128xf32, #tpu.memory_space<vmem>> -> memref<1x128xf32, #tpu.memory_space<vmem>>
        %dma_wait3A_45 = tpu.memref_squeeze %dma_wait3A_44 : memref<1x128xf32, #tpu.memory_space<vmem>> -> memref<128xf32, #tpu.memory_space<vmem>>
        %dma_wait3A_46 = arith.constant 0 : i32
        %dma_wait3A_47 = tpu.memref_slice %arg8[%dma_wait3A_42, %dma_wait3A_46] : memref<160x128xi32, #tpu.memory_space<vmem>> -> memref<1x128xi32, #tpu.memory_space<vmem>>
        %dma_wait3A_48 = tpu.memref_squeeze %dma_wait3A_47 : memref<1x128xi32, #tpu.memory_space<vmem>> -> memref<128xi32, #tpu.memory_space<vmem>>
        %dma_wait3A_49 = arith.constant 0 : i32
        %dma_wait3A_50 = tpu.memref_slice %arg10[%dma_wait3A_49] : memref<10240xf32, #tpu.memory_space<vmem_shared>> -> memref<10240xf32, #tpu.memory_space<vmem_shared>>
        tpu.wait_indirect_dma semaphore(%arg14 : memref<!tpu.dma_semaphore, #tpu.memory_space<semaphore_mem>>) src(%dma_wait3A_45 : memref<128xf32, #tpu.memory_space<vmem>>) dst(%dma_wait3A_50 : memref<10240xf32, #tpu.memory_space<vmem_shared>>)
        %scan3A_51 = arith.constant 0 : i32
        scf.yield %scan3A_51 : i32
      }
      %scan3A_39 = arith.constant 160 : i32
    } else {
    }
    %barrier3A_7 = arith.constant 0 : index
    tpu.barrier barrier_id(%barrier3A_7)
    %eq3A_8 = arith.constant 0 : i32
    %eq3A_9 = arith.cmpi eq, %arg0, %eq3A_8 : i32
    %convert_element_type3A_10 = arith.extui %eq3A_9 : i1 to i32
    %cond3A_11 = arith.constant 0 : i32
    %cond3A_12 = arith.cmpi ne, %convert_element_type3A_10, %cond3A_11 : i32
    scf.if %cond3A_12 {
      %mul3A = arith.constant 640 : i32
      %mul3A_13 = arith.muli %arg1, %mul3A : i32
      "tpu.region"() ({
        %run_scoped3A = tpu.sem_alloc : memref<!tpu.dma_semaphore, #tpu.memory_space<semaphore_mem>>
        %dma_start3A = tpu.memref_slice %arg10[%mul3A_13] : memref<10240xf32, #tpu.memory_space<vmem_shared>> -> memref<640xf32, #tpu.memory_space<vmem_shared>>
        %dma_start3A_20 = tpu.memref_slice %arg10[%mul3A_13] : memref<10240xf32, #tpu.memory_space<vmem_shared>> -> memref<640xf32, #tpu.memory_space<vmem_shared>>
        tpu.enqueue_dma source(%dma_start3A_20 : memref<640xf32, #tpu.memory_space<vmem_shared>>) target(%arg11 : memref<640xf32, #tpu.memory_space<vmem>>) target_semaphore(%run_scoped3A : memref<!tpu.dma_semaphore, #tpu.memory_space<semaphore_mem>>)
        %dma_wait3A = tpu.memref_slice %arg10[%mul3A_13] : memref<10240xf32, #tpu.memory_space<vmem_shared>> -> memref<640xf32, #tpu.memory_space<vmem_shared>>
        %dma_wait3A_21 = tpu.memref_slice %arg10[%mul3A_13] : memref<10240xf32, #tpu.memory_space<vmem_shared>> -> memref<640xf32, #tpu.memory_space<vmem_shared>>
        tpu.wait_dma2 semaphore(%run_scoped3A : memref<!tpu.dma_semaphore, #tpu.memory_space<semaphore_mem>>) src(%dma_wait3A_21 : memref<640xf32, #tpu.memory_space<vmem_shared>>) dst(%arg11 : memref<640xf32, #tpu.memory_space<vmem>>)
        tpu.yield
      }) : () -> ()
      "tpu.region"() ({
        %run_scoped3A = tpu.sem_alloc : memref<!tpu.dma_semaphore, #tpu.memory_space<semaphore_mem>>
        %dma_start3A = tpu.memref_slice %arg4[%mul3A_13] : memref<10240xf32, #tpu.memory_space<hbm>> -> memref<640xf32, #tpu.memory_space<hbm>>
        %dma_start3A_20 = tpu.memref_slice %arg4[%mul3A_13] : memref<10240xf32, #tpu.memory_space<hbm>> -> memref<640xf32, #tpu.memory_space<hbm>>
        tpu.enqueue_dma source(%dma_start3A_20 : memref<640xf32, #tpu.memory_space<hbm>>) target(%arg12 : memref<640xf32, #tpu.memory_space<vmem>>) target_semaphore(%run_scoped3A : memref<!tpu.dma_semaphore, #tpu.memory_space<semaphore_mem>>)
        %dma_wait3A = tpu.memref_slice %arg4[%mul3A_13] : memref<10240xf32, #tpu.memory_space<hbm>> -> memref<640xf32, #tpu.memory_space<hbm>>
        %dma_wait3A_21 = tpu.memref_slice %arg4[%mul3A_13] : memref<10240xf32, #tpu.memory_space<hbm>> -> memref<640xf32, #tpu.memory_space<hbm>>
        tpu.wait_dma2 semaphore(%run_scoped3A : memref<!tpu.dma_semaphore, #tpu.memory_space<semaphore_mem>>) src(%dma_wait3A_21 : memref<640xf32, #tpu.memory_space<hbm>>) dst(%arg12 : memref<640xf32, #tpu.memory_space<vmem>>)
        tpu.yield
      }) : () -> ()
      "tpu.region"() ({
        %run_scoped3A = tpu.sem_alloc : memref<!tpu.dma_semaphore, #tpu.memory_space<semaphore_mem>>
        %dma_start3A = tpu.memref_slice %arg5[%mul3A_13] : memref<10240xf32, #tpu.memory_space<hbm>> -> memref<640xf32, #tpu.memory_space<hbm>>
        %dma_start3A_20 = tpu.memref_slice %arg5[%mul3A_13] : memref<10240xf32, #tpu.memory_space<hbm>> -> memref<640xf32, #tpu.memory_space<hbm>>
        tpu.enqueue_dma source(%dma_start3A_20 : memref<640xf32, #tpu.memory_space<hbm>>) target(%arg13 : memref<640xf32, #tpu.memory_space<vmem>>) target_semaphore(%run_scoped3A : memref<!tpu.dma_semaphore, #tpu.memory_space<semaphore_mem>>)
        %dma_wait3A = tpu.memref_slice %arg5[%mul3A_13] : memref<10240xf32, #tpu.memory_space<hbm>> -> memref<640xf32, #tpu.memory_space<hbm>>
        %dma_wait3A_21 = tpu.memref_slice %arg5[%mul3A_13] : memref<10240xf32, #tpu.memory_space<hbm>> -> memref<640xf32, #tpu.memory_space<hbm>>
        tpu.wait_dma2 semaphore(%run_scoped3A : memref<!tpu.dma_semaphore, #tpu.memory_space<semaphore_mem>>) src(%dma_wait3A_21 : memref<640xf32, #tpu.memory_space<hbm>>) dst(%arg13 : memref<640xf32, #tpu.memory_space<vmem>>)
        tpu.yield
      }) : () -> ()
      %scan3A = arith.constant 0 : i32
      %scan3A_14 = arith.constant 0 : i32
      %scan3A_15 = arith.constant 40 : i32
      %scan3A_16 = arith.addi %scan3A_14, %scan3A_15 : i32
      %scan3A_17 = arith.constant 1 : i32
      %scan3A_18 = scf.for %scan3A_20 = %scan3A_14 to %scan3A_16 step %scan3A_17 iter_args(%scan3A_21 = %scan3A) -> (i32)  : i32 {
        %mul3A_22 = arith.constant 16 : i32
        %mul3A_23 = arith.muli %scan3A_20, %mul3A_22 : i32
        %get3A = arith.index_cast %mul3A_23 : i32 to index
        %get3A_24 = tpu.vector_load %arg11[%get3A] {strides = array<i32>} : memref<640xf32, #tpu.memory_space<vmem>>, vector<16xf32>,
        %get3A_25 = vector.shape_cast %get3A_24 : vector<16xf32> to vector<16xf32>
        %get3A_26 = arith.index_cast %mul3A_23 : i32 to index
        %get3A_27 = tpu.vector_load %arg12[%get3A_26] {strides = array<i32>} : memref<640xf32, #tpu.memory_space<vmem>>, vector<16xf32>,
        %get3A_28 = vector.shape_cast %get3A_27 : vector<16xf32> to vector<16xf32>
        %add3A = arith.addf %get3A_25, %get3A_28 : vector<16xf32>
        %get3A_29 = arith.index_cast %mul3A_23 : i32 to index
        %get3A_30 = tpu.vector_load %arg13[%get3A_29] {strides = array<i32>} : memref<640xf32, #tpu.memory_space<vmem>>, vector<16xf32>,
        %get3A_31 = vector.shape_cast %get3A_30 : vector<16xf32> to vector<16xf32>
        %mul3A_32 = arith.mulf %add3A, %get3A_31 : vector<16xf32>
        %swap3A = arith.index_cast %mul3A_23 : i32 to index
        %swap3A_33 = tpu.vector_load %arg11[%swap3A] {strides = array<i32>} : memref<640xf32, #tpu.memory_space<vmem>>, vector<16xf32>,
        %swap3A_34 = vector.shape_cast %swap3A_33 : vector<16xf32> to vector<16xf32>
        %swap3A_35 = vector.shape_cast %mul3A_32 : vector<16xf32> to vector<16xf32>
        tpu.vector_store %arg11[%swap3A], %swap3A_35 {strides = array<i32>} : memref<640xf32, #tpu.memory_space<vmem>>, vector<16xf32>,
        %scan3A_36 = arith.constant 0 : i32
        scf.yield %scan3A_36 : i32
      }
      %scan3A_19 = arith.constant 40 : i32
      "tpu.region"() ({
        %run_scoped3A = tpu.sem_alloc : memref<!tpu.dma_semaphore, #tpu.memory_space<semaphore_mem>>
        %dma_start3A = tpu.memref_slice %arg6[%mul3A_13] : memref<10240xf32, #tpu.memory_space<hbm>> -> memref<640xf32, #tpu.memory_space<hbm>>
        %dma_start3A_20 = tpu.memref_slice %arg6[%mul3A_13] : memref<10240xf32, #tpu.memory_space<hbm>> -> memref<640xf32, #tpu.memory_space<hbm>>
        tpu.enqueue_dma source(%arg11 : memref<640xf32, #tpu.memory_space<vmem>>) target(%dma_start3A_20 : memref<640xf32, #tpu.memory_space<hbm>>) target_semaphore(%run_scoped3A : memref<!tpu.dma_semaphore, #tpu.memory_space<semaphore_mem>>)
        %dma_wait3A = tpu.memref_slice %arg6[%mul3A_13] : memref<10240xf32, #tpu.memory_space<hbm>> -> memref<640xf32, #tpu.memory_space<hbm>>
        %dma_wait3A_21 = tpu.memref_slice %arg6[%mul3A_13] : memref<10240xf32, #tpu.memory_space<hbm>> -> memref<640xf32, #tpu.memory_space<hbm>>
        tpu.wait_dma2 semaphore(%run_scoped3A : memref<!tpu.dma_semaphore, #tpu.memory_space<semaphore_mem>>) src(%arg11 : memref<640xf32, #tpu.memory_space<vmem>>) dst(%dma_wait3A_21 : memref<640xf32, #tpu.memory_space<hbm>>)
        tpu.yield
      }) : () -> ()
    } else {
    }
    return
  }
}

#map = affine_map<(d0, d1) -> (0, 0)>
#map1 = affine_map<(d0, d1) -> (0, 0, 0, 0)>
module attributes {stable_mosaic.version = 14 : i64} {
  func.func @_agg_kernel(%arg0: i32, %arg1: i32, %arg2: memref<10240x128xf32, #tpu.memory_space<hbm>>, %arg3: memref<10240x128xf32, #tpu.memory_space<hbm>>, %arg4: memref<16x160x2x128xi32, #tpu.memory_space<hbm>>, %arg5: memref<10240x128xf32, #tpu.memory_space<hbm>>, %arg6: memref<10240x128xf32, #tpu.memory_space<hbm>>, %arg7: memref<2x128xi32, #tpu.memory_space<vmem>>, %arg8: memref<2x128xi32, #tpu.memory_space<vmem>>, %arg9: memref<128x128xf32, #tpu.memory_space<vmem>>, %arg10: memref<128x128xf32, #tpu.memory_space<vmem>>, %arg11: memref<10240x128xf32, #tpu.memory_space<vmem_shared>>, %arg12: memref<!tpu.dma_semaphore, #tpu.memory_space<semaphore_mem>>, %arg13: memref<!tpu.dma_semaphore, #tpu.memory_space<semaphore_mem>>) attributes {dimension_semantics = [#tpu.dimension_semantics<core_parallel>, #tpu.dimension_semantics<subcore_parallel>], iteration_bounds = array<i64: 2, 16>, scalar_prefetch = 0 : i64, scratch_operands = 7 : i64, tpu.core_type = #tpu.core_type<sc_vector_subcore>, window_params = [{transform_indices = #map}, {transform_indices = #map}, {transform_indices = #map1}, {transform_indices = #map}, {transform_indices = #map}]} {
    %mul3A = arith.constant 640 : i32
    %mul3A_0 = arith.muli %arg1, %mul3A : i32
    %eq3A = arith.constant 0 : i32
    %eq3A_1 = arith.cmpi eq, %arg0, %eq3A : i32
    %convert_element_type3A = arith.extui %eq3A_1 : i1 to i32
    %cond3A = arith.constant 0 : i32
    %cond3A_2 = arith.cmpi ne, %convert_element_type3A, %cond3A : i32
    scf.if %cond3A_2 {
      "tpu.region"() ({
        %run_scoped3A = tpu.sem_alloc : memref<!tpu.dma_semaphore, #tpu.memory_space<semaphore_mem>>
        %dma_start3A = arith.constant 0 : i32
        %dma_start3A_29 = tpu.memref_slice %arg11[%mul3A_0, %dma_start3A] : memref<10240x128xf32, #tpu.memory_space<vmem_shared>> -> memref<640x128xf32, #tpu.memory_space<vmem_shared>>
        %dma_start3A_30 = arith.constant 0 : i32
        %dma_start3A_31 = tpu.memref_slice %arg2[%mul3A_0, %dma_start3A_30] : memref<10240x128xf32, #tpu.memory_space<hbm>> -> memref<640x128xf32, #tpu.memory_space<hbm>>
        tpu.enqueue_dma source(%dma_start3A_31 : memref<640x128xf32, #tpu.memory_space<hbm>>) target(%dma_start3A_29 : memref<640x128xf32, #tpu.memory_space<vmem_shared>>) target_semaphore(%run_scoped3A : memref<!tpu.dma_semaphore, #tpu.memory_space<semaphore_mem>>)
        %dma_wait3A = arith.constant 0 : i32
        %dma_wait3A_32 = tpu.memref_slice %arg11[%mul3A_0, %dma_wait3A] : memref<10240x128xf32, #tpu.memory_space<vmem_shared>> -> memref<640x128xf32, #tpu.memory_space<vmem_shared>>
        %dma_wait3A_33 = arith.constant 0 : i32
        %dma_wait3A_34 = tpu.memref_slice %arg2[%mul3A_0, %dma_wait3A_33] : memref<10240x128xf32, #tpu.memory_space<hbm>> -> memref<640x128xf32, #tpu.memory_space<hbm>>
        tpu.wait_dma2 semaphore(%run_scoped3A : memref<!tpu.dma_semaphore, #tpu.memory_space<semaphore_mem>>) src(%dma_wait3A_34 : memref<640x128xf32, #tpu.memory_space<hbm>>) dst(%dma_wait3A_32 : memref<640x128xf32, #tpu.memory_space<vmem_shared>>)
        tpu.yield
      }) : () -> ()
    } else {
    }
    %eq3A_3 = arith.constant 1 : i32
    %eq3A_4 = arith.cmpi eq, %arg0, %eq3A_3 : i32
    %convert_element_type3A_5 = arith.extui %eq3A_4 : i1 to i32
    %cond3A_6 = arith.constant 0 : i32
    %cond3A_7 = arith.cmpi ne, %convert_element_type3A_5, %cond3A_6 : i32
    scf.if %cond3A_7 {
      "tpu.region"() ({
        %run_scoped3A = tpu.sem_alloc : memref<!tpu.dma_semaphore, #tpu.memory_space<semaphore_mem>>
        %dma_start3A = arith.constant 0 : i32
        %dma_start3A_29 = tpu.memref_slice %arg11[%mul3A_0, %dma_start3A] : memref<10240x128xf32, #tpu.memory_space<vmem_shared>> -> memref<640x128xf32, #tpu.memory_space<vmem_shared>>
        %dma_start3A_30 = arith.constant 0 : i32
        %dma_start3A_31 = tpu.memref_slice %arg3[%mul3A_0, %dma_start3A_30] : memref<10240x128xf32, #tpu.memory_space<hbm>> -> memref<640x128xf32, #tpu.memory_space<hbm>>
        tpu.enqueue_dma source(%dma_start3A_31 : memref<640x128xf32, #tpu.memory_space<hbm>>) target(%dma_start3A_29 : memref<640x128xf32, #tpu.memory_space<vmem_shared>>) target_semaphore(%run_scoped3A : memref<!tpu.dma_semaphore, #tpu.memory_space<semaphore_mem>>)
        %dma_wait3A = arith.constant 0 : i32
        %dma_wait3A_32 = tpu.memref_slice %arg11[%mul3A_0, %dma_wait3A] : memref<10240x128xf32, #tpu.memory_space<vmem_shared>> -> memref<640x128xf32, #tpu.memory_space<vmem_shared>>
        %dma_wait3A_33 = arith.constant 0 : i32
        %dma_wait3A_34 = tpu.memref_slice %arg3[%mul3A_0, %dma_wait3A_33] : memref<10240x128xf32, #tpu.memory_space<hbm>> -> memref<640x128xf32, #tpu.memory_space<hbm>>
        tpu.wait_dma2 semaphore(%run_scoped3A : memref<!tpu.dma_semaphore, #tpu.memory_space<semaphore_mem>>) src(%dma_wait3A_34 : memref<640x128xf32, #tpu.memory_space<hbm>>) dst(%dma_wait3A_32 : memref<640x128xf32, #tpu.memory_space<vmem_shared>>)
        tpu.yield
      }) : () -> ()
    } else {
    }
    %barrier3A = arith.constant 0 : index
    tpu.barrier barrier_id(%barrier3A)
    %eq3A_8 = arith.constant 0 : i32
    %eq3A_9 = arith.cmpi eq, %arg0, %eq3A_8 : i32
    %convert_element_type3A_10 = arith.extui %eq3A_9 : i1 to i32
    %cond3A_11 = arith.constant 0 : i32
    %cond3A_12 = arith.cmpi ne, %convert_element_type3A_10, %cond3A_11 : i32
    scf.if %cond3A_12 {
      %run_scoped3A = arith.constant 0 : i32
      "tpu.region"() ({
        %run_scoped3A_41 = tpu.sem_alloc : memref<!tpu.dma_semaphore, #tpu.memory_space<semaphore_mem>>
        %dma_start3A_42 = arith.constant 0 : i32
        %dma_start3A_43 = arith.constant 0 : i32
        %dma_start3A_44 = tpu.memref_slice %arg4[%arg1, %run_scoped3A, %dma_start3A_42, %dma_start3A_43] : memref<16x160x2x128xi32, #tpu.memory_space<hbm>> -> memref<1x1x2x128xi32, #tpu.memory_space<hbm>>
        %dma_start3A_45 = tpu.memref_squeeze %dma_start3A_44 : memref<1x1x2x128xi32, #tpu.memory_space<hbm>> -> memref<2x128xi32, #tpu.memory_space<hbm>>
        %dma_start3A_46 = arith.constant 0 : i32
        %dma_start3A_47 = arith.constant 0 : i32
        %dma_start3A_48 = tpu.memref_slice %arg4[%arg1, %run_scoped3A, %dma_start3A_46, %dma_start3A_47] : memref<16x160x2x128xi32, #tpu.memory_space<hbm>> -> memref<1x1x2x128xi32, #tpu.memory_space<hbm>>
        %dma_start3A_49 = tpu.memref_squeeze %dma_start3A_48 : memref<1x1x2x128xi32, #tpu.memory_space<hbm>> -> memref<2x128xi32, #tpu.memory_space<hbm>>
        tpu.enqueue_dma source(%dma_start3A_49 : memref<2x128xi32, #tpu.memory_space<hbm>>) target(%arg7 : memref<2x128xi32, #tpu.memory_space<vmem>>) target_semaphore(%run_scoped3A_41 : memref<!tpu.dma_semaphore, #tpu.memory_space<semaphore_mem>>)
        %dma_wait3A = arith.constant 0 : i32
        %dma_wait3A_50 = arith.constant 0 : i32
        %dma_wait3A_51 = tpu.memref_slice %arg4[%arg1, %run_scoped3A, %dma_wait3A, %dma_wait3A_50] : memref<16x160x2x128xi32, #tpu.memory_space<hbm>> -> memref<1x1x2x128xi32, #tpu.memory_space<hbm>>
        %dma_wait3A_52 = tpu.memref_squeeze %dma_wait3A_51 : memref<1x1x2x128xi32, #tpu.memory_space<hbm>> -> memref<2x128xi32, #tpu.memory_space<hbm>>
        %dma_wait3A_53 = arith.constant 0 : i32
        %dma_wait3A_54 = arith.constant 0 : i32
        %dma_wait3A_55 = tpu.memref_slice %arg4[%arg1, %run_scoped3A, %dma_wait3A_53, %dma_wait3A_54] : memref<16x160x2x128xi32, #tpu.memory_space<hbm>> -> memref<1x1x2x128xi32, #tpu.memory_space<hbm>>
        %dma_wait3A_56 = tpu.memref_squeeze %dma_wait3A_55 : memref<1x1x2x128xi32, #tpu.memory_space<hbm>> -> memref<2x128xi32, #tpu.memory_space<hbm>>
        tpu.wait_dma2 semaphore(%run_scoped3A_41 : memref<!tpu.dma_semaphore, #tpu.memory_space<semaphore_mem>>) src(%dma_wait3A_56 : memref<2x128xi32, #tpu.memory_space<hbm>>) dst(%arg7 : memref<2x128xi32, #tpu.memory_space<vmem>>)
        tpu.yield
      }) : () -> ()
      %dma_start3A = arith.constant 0 : i32
      %dma_start3A_29 = arith.constant 0 : i32
      %dma_start3A_30 = tpu.memref_slice %arg7[%dma_start3A, %dma_start3A_29] : memref<2x128xi32, #tpu.memory_space<vmem>> -> memref<1x128xi32, #tpu.memory_space<vmem>>
      %dma_start3A_31 = tpu.memref_squeeze %dma_start3A_30 : memref<1x128xi32, #tpu.memory_space<vmem>> -> memref<128xi32, #tpu.memory_space<vmem>>
      %dma_start3A_32 = arith.constant 0 : i32
      %dma_start3A_33 = arith.constant 0 : i32
      %dma_start3A_34 = tpu.memref_slice %arg2[%dma_start3A_32, %dma_start3A_33] : memref<10240x128xf32, #tpu.memory_space<hbm>> -> memref<10240x128xf32, #tpu.memory_space<hbm>>
      tpu.enqueue_indirect_dma source(%dma_start3A_34 : memref<10240x128xf32, #tpu.memory_space<hbm>>) target(%arg9 : memref<128x128xf32, #tpu.memory_space<vmem>>) offsets(%dma_start3A_31 : memref<128xi32, #tpu.memory_space<vmem>>) semaphore(%arg12 : memref<!tpu.dma_semaphore, #tpu.memory_space<semaphore_mem>>)
      %scan3A = arith.constant 0 : i32
      %scan3A_35 = arith.constant 0 : i32
      %scan3A_36 = arith.constant 80 : i32
      %scan3A_37 = arith.addi %scan3A_35, %scan3A_36 : i32
      %scan3A_38 = arith.constant 1 : i32
      %scan3A_39 = scf.for %scan3A_41 = %scan3A_35 to %scan3A_37 step %scan3A_38 iter_args(%scan3A_42 = %scan3A) -> (i32)  : i32 {
        %mul3A_43 = arith.constant 2 : i32
        %mul3A_44 = arith.muli %mul3A_43, %scan3A_41 : i32
        %dma_wait3A = arith.constant 0 : i32
        %dma_wait3A_45 = arith.constant 0 : i32
        %dma_wait3A_46 = tpu.memref_slice %arg7[%dma_wait3A, %dma_wait3A_45] : memref<2x128xi32, #tpu.memory_space<vmem>> -> memref<1x128xi32, #tpu.memory_space<vmem>>
        %dma_wait3A_47 = tpu.memref_squeeze %dma_wait3A_46 : memref<1x128xi32, #tpu.memory_space<vmem>> -> memref<128xi32, #tpu.memory_space<vmem>>
        %dma_wait3A_48 = arith.constant 0 : i32
        %dma_wait3A_49 = arith.constant 0 : i32
        %dma_wait3A_50 = tpu.memref_slice %arg2[%dma_wait3A_48, %dma_wait3A_49] : memref<10240x128xf32, #tpu.memory_space<hbm>> -> memref<10240x128xf32, #tpu.memory_space<hbm>>
        tpu.wait_indirect_dma semaphore(%arg12 : memref<!tpu.dma_semaphore, #tpu.memory_space<semaphore_mem>>) src(%dma_wait3A_50 : memref<10240x128xf32, #tpu.memory_space<hbm>>) dst(%arg9 : memref<128x128xf32, #tpu.memory_space<vmem>>)
        %add3A = arith.constant 1 : i32
        %add3A_51 = arith.addi %mul3A_44, %add3A : i32
        "tpu.region"() ({
          %run_scoped3A_75 = tpu.sem_alloc : memref<!tpu.dma_semaphore, #tpu.memory_space<semaphore_mem>>
          %dma_start3A_76 = arith.constant 0 : i32
          %dma_start3A_77 = arith.constant 0 : i32
          %dma_start3A_78 = tpu.memref_slice %arg4[%arg1, %add3A_51, %dma_start3A_76, %dma_start3A_77] : memref<16x160x2x128xi32, #tpu.memory_space<hbm>> -> memref<1x1x2x128xi32, #tpu.memory_space<hbm>>
          %dma_start3A_79 = tpu.memref_squeeze %dma_start3A_78 : memref<1x1x2x128xi32, #tpu.memory_space<hbm>> -> memref<2x128xi32, #tpu.memory_space<hbm>>
          %dma_start3A_80 = arith.constant 0 : i32
          %dma_start3A_81 = arith.constant 0 : i32
          %dma_start3A_82 = tpu.memref_slice %arg4[%arg1, %add3A_51, %dma_start3A_80, %dma_start3A_81] : memref<16x160x2x128xi32, #tpu.memory_space<hbm>> -> memref<1x1x2x128xi32, #tpu.memory_space<hbm>>
          %dma_start3A_83 = tpu.memref_squeeze %dma_start3A_82 : memref<1x1x2x128xi32, #tpu.memory_space<hbm>> -> memref<2x128xi32, #tpu.memory_space<hbm>>
          tpu.enqueue_dma source(%dma_start3A_83 : memref<2x128xi32, #tpu.memory_space<hbm>>) target(%arg8 : memref<2x128xi32, #tpu.memory_space<vmem>>) target_semaphore(%run_scoped3A_75 : memref<!tpu.dma_semaphore, #tpu.memory_space<semaphore_mem>>)
          %dma_wait3A_84 = arith.constant 0 : i32
          %dma_wait3A_85 = arith.constant 0 : i32
          %dma_wait3A_86 = tpu.memref_slice %arg4[%arg1, %add3A_51, %dma_wait3A_84, %dma_wait3A_85] : memref<16x160x2x128xi32, #tpu.memory_space<hbm>> -> memref<1x1x2x128xi32, #tpu.memory_space<hbm>>
          %dma_wait3A_87 = tpu.memref_squeeze %dma_wait3A_86 : memref<1x1x2x128xi32, #tpu.memory_space<hbm>> -> memref<2x128xi32, #tpu.memory_space<hbm>>
          %dma_wait3A_88 = arith.constant 0 : i32
          %dma_wait3A_89 = arith.constant 0 : i32
          %dma_wait3A_90 = tpu.memref_slice %arg4[%arg1, %add3A_51, %dma_wait3A_88, %dma_wait3A_89] : memref<16x160x2x128xi32, #tpu.memory_space<hbm>> -> memref<1x1x2x128xi32, #tpu.memory_space<hbm>>
          %dma_wait3A_91 = tpu.memref_squeeze %dma_wait3A_90 : memref<1x1x2x128xi32, #tpu.memory_space<hbm>> -> memref<2x128xi32, #tpu.memory_space<hbm>>
          tpu.wait_dma2 semaphore(%run_scoped3A_75 : memref<!tpu.dma_semaphore, #tpu.memory_space<semaphore_mem>>) src(%dma_wait3A_91 : memref<2x128xi32, #tpu.memory_space<hbm>>) dst(%arg8 : memref<2x128xi32, #tpu.memory_space<vmem>>)
          tpu.yield
        }) : () -> ()
        %dma_start3A_52 = arith.constant 0 : i32
        %dma_start3A_53 = arith.constant 0 : i32
        %dma_start3A_54 = tpu.memref_slice %arg8[%dma_start3A_52, %dma_start3A_53] : memref<2x128xi32, #tpu.memory_space<vmem>> -> memref<1x128xi32, #tpu.memory_space<vmem>>
        %dma_start3A_55 = tpu.memref_squeeze %dma_start3A_54 : memref<1x128xi32, #tpu.memory_space<vmem>> -> memref<128xi32, #tpu.memory_space<vmem>>
        %dma_start3A_56 = arith.constant 0 : i32
        %dma_start3A_57 = arith.constant 0 : i32
        %dma_start3A_58 = tpu.memref_slice %arg2[%dma_start3A_56, %dma_start3A_57] : memref<10240x128xf32, #tpu.memory_space<hbm>> -> memref<10240x128xf32, #tpu.memory_space<hbm>>
        tpu.enqueue_indirect_dma source(%dma_start3A_58 : memref<10240x128xf32, #tpu.memory_space<hbm>>) target(%arg10 : memref<128x128xf32, #tpu.memory_space<vmem>>) offsets(%dma_start3A_55 : memref<128xi32, #tpu.memory_space<vmem>>) semaphore(%arg13 : memref<!tpu.dma_semaphore, #tpu.memory_space<semaphore_mem>>)
        %run_scoped3A_59 = arith.constant 1 : i32
        "tpu.region"() ({
          %run_scoped3A_75 = tpu.sem_alloc : memref<!tpu.dma_semaphore, #tpu.memory_space<semaphore_mem>>
          %dma_start3A_76 = arith.constant 0 : i32
          %dma_start3A_77 = tpu.memref_slice %arg7[%run_scoped3A_59, %dma_start3A_76] : memref<2x128xi32, #tpu.memory_space<vmem>> -> memref<1x128xi32, #tpu.memory_space<vmem>>
          %dma_start3A_78 = tpu.memref_squeeze %dma_start3A_77 : memref<1x128xi32, #tpu.memory_space<vmem>> -> memref<128xi32, #tpu.memory_space<vmem>>
          %dma_start3A_79 = arith.constant 0 : i32
          %dma_start3A_80 = arith.constant 0 : i32
          %dma_start3A_81 = tpu.memref_slice %arg11[%dma_start3A_79, %dma_start3A_80] : memref<10240x128xf32, #tpu.memory_space<vmem_shared>> -> memref<10240x128xf32, #tpu.memory_space<vmem_shared>>
          tpu.enqueue_indirect_dma source(%arg9 : memref<128x128xf32, #tpu.memory_space<vmem>>) target(%dma_start3A_81 : memref<10240x128xf32, #tpu.memory_space<vmem_shared>>) offsets(%dma_start3A_78 : memref<128xi32, #tpu.memory_space<vmem>>) semaphore(%run_scoped3A_75 : memref<!tpu.dma_semaphore, #tpu.memory_space<semaphore_mem>>) {add = true}
          %dma_wait3A_82 = arith.constant 0 : i32
          %dma_wait3A_83 = tpu.memref_slice %arg7[%run_scoped3A_59, %dma_wait3A_82] : memref<2x128xi32, #tpu.memory_space<vmem>> -> memref<1x128xi32, #tpu.memory_space<vmem>>
          %dma_wait3A_84 = tpu.memref_squeeze %dma_wait3A_83 : memref<1x128xi32, #tpu.memory_space<vmem>> -> memref<128xi32, #tpu.memory_space<vmem>>
          %dma_wait3A_85 = arith.constant 0 : i32
          %dma_wait3A_86 = arith.constant 0 : i32
          %dma_wait3A_87 = tpu.memref_slice %arg11[%dma_wait3A_85, %dma_wait3A_86] : memref<10240x128xf32, #tpu.memory_space<vmem_shared>> -> memref<10240x128xf32, #tpu.memory_space<vmem_shared>>
          tpu.wait_indirect_dma semaphore(%run_scoped3A_75 : memref<!tpu.dma_semaphore, #tpu.memory_space<semaphore_mem>>) src(%arg9 : memref<128x128xf32, #tpu.memory_space<vmem>>) dst(%dma_wait3A_87 : memref<10240x128xf32, #tpu.memory_space<vmem_shared>>)
          tpu.yield
        }) : () -> ()
        %add3A_60 = arith.constant 2 : i32
        %add3A_61 = arith.addi %mul3A_44, %add3A_60 : i32
        %lt3A = arith.constant 160 : i32
        %lt3A_62 = arith.cmpi slt, %add3A_61, %lt3A : i32
        %convert_element_type3A_63 = arith.extui %lt3A_62 : i1 to i32
        %cond3A_64 = arith.constant 0 : i32
        %cond3A_65 = arith.cmpi ne, %convert_element_type3A_63, %cond3A_64 : i32
        scf.if %cond3A_65 {
          %add3A_75 = arith.constant 2 : i32
          %add3A_76 = arith.addi %mul3A_44, %add3A_75 : i32
          "tpu.region"() ({
            %run_scoped3A_84 = tpu.sem_alloc : memref<!tpu.dma_semaphore, #tpu.memory_space<semaphore_mem>>
            %dma_start3A_85 = arith.constant 0 : i32
            %dma_start3A_86 = arith.constant 0 : i32
            %dma_start3A_87 = tpu.memref_slice %arg4[%arg1, %add3A_76, %dma_start3A_85, %dma_start3A_86] : memref<16x160x2x128xi32, #tpu.memory_space<hbm>> -> memref<1x1x2x128xi32, #tpu.memory_space<hbm>>
            %dma_start3A_88 = tpu.memref_squeeze %dma_start3A_87 : memref<1x1x2x128xi32, #tpu.memory_space<hbm>> -> memref<2x128xi32, #tpu.memory_space<hbm>>
            %dma_start3A_89 = arith.constant 0 : i32
            %dma_start3A_90 = arith.constant 0 : i32
            %dma_start3A_91 = tpu.memref_slice %arg4[%arg1, %add3A_76, %dma_start3A_89, %dma_start3A_90] : memref<16x160x2x128xi32, #tpu.memory_space<hbm>> -> memref<1x1x2x128xi32, #tpu.memory_space<hbm>>
            %dma_start3A_92 = tpu.memref_squeeze %dma_start3A_91 : memref<1x1x2x128xi32, #tpu.memory_space<hbm>> -> memref<2x128xi32, #tpu.memory_space<hbm>>
            tpu.enqueue_dma source(%dma_start3A_92 : memref<2x128xi32, #tpu.memory_space<hbm>>) target(%arg7 : memref<2x128xi32, #tpu.memory_space<vmem>>) target_semaphore(%run_scoped3A_84 : memref<!tpu.dma_semaphore, #tpu.memory_space<semaphore_mem>>)
            %dma_wait3A_93 = arith.constant 0 : i32
            %dma_wait3A_94 = arith.constant 0 : i32
            %dma_wait3A_95 = tpu.memref_slice %arg4[%arg1, %add3A_76, %dma_wait3A_93, %dma_wait3A_94] : memref<16x160x2x128xi32, #tpu.memory_space<hbm>> -> memref<1x1x2x128xi32, #tpu.memory_space<hbm>>
            %dma_wait3A_96 = tpu.memref_squeeze %dma_wait3A_95 : memref<1x1x2x128xi32, #tpu.memory_space<hbm>> -> memref<2x128xi32, #tpu.memory_space<hbm>>
            %dma_wait3A_97 = arith.constant 0 : i32
            %dma_wait3A_98 = arith.constant 0 : i32
            %dma_wait3A_99 = tpu.memref_slice %arg4[%arg1, %add3A_76, %dma_wait3A_97, %dma_wait3A_98] : memref<16x160x2x128xi32, #tpu.memory_space<hbm>> -> memref<1x1x2x128xi32, #tpu.memory_space<hbm>>
            %dma_wait3A_100 = tpu.memref_squeeze %dma_wait3A_99 : memref<1x1x2x128xi32, #tpu.memory_space<hbm>> -> memref<2x128xi32, #tpu.memory_space<hbm>>
            tpu.wait_dma2 semaphore(%run_scoped3A_84 : memref<!tpu.dma_semaphore, #tpu.memory_space<semaphore_mem>>) src(%dma_wait3A_100 : memref<2x128xi32, #tpu.memory_space<hbm>>) dst(%arg7 : memref<2x128xi32, #tpu.memory_space<vmem>>)
            tpu.yield
          }) : () -> ()
          %dma_start3A_77 = arith.constant 0 : i32
          %dma_start3A_78 = arith.constant 0 : i32
          %dma_start3A_79 = tpu.memref_slice %arg7[%dma_start3A_77, %dma_start3A_78] : memref<2x128xi32, #tpu.memory_space<vmem>> -> memref<1x128xi32, #tpu.memory_space<vmem>>
          %dma_start3A_80 = tpu.memref_squeeze %dma_start3A_79 : memref<1x128xi32, #tpu.memory_space<vmem>> -> memref<128xi32, #tpu.memory_space<vmem>>
          %dma_start3A_81 = arith.constant 0 : i32
          %dma_start3A_82 = arith.constant 0 : i32
          %dma_start3A_83 = tpu.memref_slice %arg2[%dma_start3A_81, %dma_start3A_82] : memref<10240x128xf32, #tpu.memory_space<hbm>> -> memref<10240x128xf32, #tpu.memory_space<hbm>>
          tpu.enqueue_indirect_dma source(%dma_start3A_83 : memref<10240x128xf32, #tpu.memory_space<hbm>>) target(%arg9 : memref<128x128xf32, #tpu.memory_space<vmem>>) offsets(%dma_start3A_80 : memref<128xi32, #tpu.memory_space<vmem>>) semaphore(%arg12 : memref<!tpu.dma_semaphore, #tpu.memory_space<semaphore_mem>>)
        } else {
        }
        %dma_wait3A_66 = arith.constant 0 : i32
        %dma_wait3A_67 = arith.constant 0 : i32
        %dma_wait3A_68 = tpu.memref_slice %arg8[%dma_wait3A_66, %dma_wait3A_67] : memref<2x128xi32, #tpu.memory_space<vmem>> -> memref<1x128xi32, #tpu.memory_space<vmem>>
        %dma_wait3A_69 = tpu.memref_squeeze %dma_wait3A_68 : memref<1x128xi32, #tpu.memory_space<vmem>> -> memref<128xi32, #tpu.memory_space<vmem>>
        %dma_wait3A_70 = arith.constant 0 : i32
        %dma_wait3A_71 = arith.constant 0 : i32
        %dma_wait3A_72 = tpu.memref_slice %arg2[%dma_wait3A_70, %dma_wait3A_71] : memref<10240x128xf32, #tpu.memory_space<hbm>> -> memref<10240x128xf32, #tpu.memory_space<hbm>>
        tpu.wait_indirect_dma semaphore(%arg13 : memref<!tpu.dma_semaphore, #tpu.memory_space<semaphore_mem>>) src(%dma_wait3A_72 : memref<10240x128xf32, #tpu.memory_space<hbm>>) dst(%arg10 : memref<128x128xf32, #tpu.memory_space<vmem>>)
        %run_scoped3A_73 = arith.constant 1 : i32
        "tpu.region"() ({
          %run_scoped3A_75 = tpu.sem_alloc : memref<!tpu.dma_semaphore, #tpu.memory_space<semaphore_mem>>
          %dma_start3A_76 = arith.constant 0 : i32
          %dma_start3A_77 = tpu.memref_slice %arg8[%run_scoped3A_73, %dma_start3A_76] : memref<2x128xi32, #tpu.memory_space<vmem>> -> memref<1x128xi32, #tpu.memory_space<vmem>>
          %dma_start3A_78 = tpu.memref_squeeze %dma_start3A_77 : memref<1x128xi32, #tpu.memory_space<vmem>> -> memref<128xi32, #tpu.memory_space<vmem>>
          %dma_start3A_79 = arith.constant 0 : i32
          %dma_start3A_80 = arith.constant 0 : i32
          %dma_start3A_81 = tpu.memref_slice %arg11[%dma_start3A_79, %dma_start3A_80] : memref<10240x128xf32, #tpu.memory_space<vmem_shared>> -> memref<10240x128xf32, #tpu.memory_space<vmem_shared>>
          tpu.enqueue_indirect_dma source(%arg10 : memref<128x128xf32, #tpu.memory_space<vmem>>) target(%dma_start3A_81 : memref<10240x128xf32, #tpu.memory_space<vmem_shared>>) offsets(%dma_start3A_78 : memref<128xi32, #tpu.memory_space<vmem>>) semaphore(%run_scoped3A_75 : memref<!tpu.dma_semaphore, #tpu.memory_space<semaphore_mem>>) {add = true}
          %dma_wait3A_82 = arith.constant 0 : i32
          %dma_wait3A_83 = tpu.memref_slice %arg8[%run_scoped3A_73, %dma_wait3A_82] : memref<2x128xi32, #tpu.memory_space<vmem>> -> memref<1x128xi32, #tpu.memory_space<vmem>>
          %dma_wait3A_84 = tpu.memref_squeeze %dma_wait3A_83 : memref<1x128xi32, #tpu.memory_space<vmem>> -> memref<128xi32, #tpu.memory_space<vmem>>
          %dma_wait3A_85 = arith.constant 0 : i32
          %dma_wait3A_86 = arith.constant 0 : i32
          %dma_wait3A_87 = tpu.memref_slice %arg11[%dma_wait3A_85, %dma_wait3A_86] : memref<10240x128xf32, #tpu.memory_space<vmem_shared>> -> memref<10240x128xf32, #tpu.memory_space<vmem_shared>>
          tpu.wait_indirect_dma semaphore(%run_scoped3A_75 : memref<!tpu.dma_semaphore, #tpu.memory_space<semaphore_mem>>) src(%arg10 : memref<128x128xf32, #tpu.memory_space<vmem>>) dst(%dma_wait3A_87 : memref<10240x128xf32, #tpu.memory_space<vmem_shared>>)
          tpu.yield
        }) : () -> ()
        %scan3A_74 = arith.constant 0 : i32
        scf.yield %scan3A_74 : i32
      }
      %scan3A_40 = arith.constant 80 : i32
    } else {
    }
    %eq3A_13 = arith.constant 1 : i32
    %eq3A_14 = arith.cmpi eq, %arg0, %eq3A_13 : i32
    %convert_element_type3A_15 = arith.extui %eq3A_14 : i1 to i32
    %cond3A_16 = arith.constant 0 : i32
    %cond3A_17 = arith.cmpi ne, %convert_element_type3A_15, %cond3A_16 : i32
    scf.if %cond3A_17 {
      %run_scoped3A = arith.constant 0 : i32
      "tpu.region"() ({
        %run_scoped3A_41 = tpu.sem_alloc : memref<!tpu.dma_semaphore, #tpu.memory_space<semaphore_mem>>
        %dma_start3A_42 = arith.constant 0 : i32
        %dma_start3A_43 = arith.constant 0 : i32
        %dma_start3A_44 = tpu.memref_slice %arg4[%arg1, %run_scoped3A, %dma_start3A_42, %dma_start3A_43] : memref<16x160x2x128xi32, #tpu.memory_space<hbm>> -> memref<1x1x2x128xi32, #tpu.memory_space<hbm>>
        %dma_start3A_45 = tpu.memref_squeeze %dma_start3A_44 : memref<1x1x2x128xi32, #tpu.memory_space<hbm>> -> memref<2x128xi32, #tpu.memory_space<hbm>>
        %dma_start3A_46 = arith.constant 0 : i32
        %dma_start3A_47 = arith.constant 0 : i32
        %dma_start3A_48 = tpu.memref_slice %arg4[%arg1, %run_scoped3A, %dma_start3A_46, %dma_start3A_47] : memref<16x160x2x128xi32, #tpu.memory_space<hbm>> -> memref<1x1x2x128xi32, #tpu.memory_space<hbm>>
        %dma_start3A_49 = tpu.memref_squeeze %dma_start3A_48 : memref<1x1x2x128xi32, #tpu.memory_space<hbm>> -> memref<2x128xi32, #tpu.memory_space<hbm>>
        tpu.enqueue_dma source(%dma_start3A_49 : memref<2x128xi32, #tpu.memory_space<hbm>>) target(%arg7 : memref<2x128xi32, #tpu.memory_space<vmem>>) target_semaphore(%run_scoped3A_41 : memref<!tpu.dma_semaphore, #tpu.memory_space<semaphore_mem>>)
        %dma_wait3A = arith.constant 0 : i32
        %dma_wait3A_50 = arith.constant 0 : i32
        %dma_wait3A_51 = tpu.memref_slice %arg4[%arg1, %run_scoped3A, %dma_wait3A, %dma_wait3A_50] : memref<16x160x2x128xi32, #tpu.memory_space<hbm>> -> memref<1x1x2x128xi32, #tpu.memory_space<hbm>>
        %dma_wait3A_52 = tpu.memref_squeeze %dma_wait3A_51 : memref<1x1x2x128xi32, #tpu.memory_space<hbm>> -> memref<2x128xi32, #tpu.memory_space<hbm>>
        %dma_wait3A_53 = arith.constant 0 : i32
        %dma_wait3A_54 = arith.constant 0 : i32
        %dma_wait3A_55 = tpu.memref_slice %arg4[%arg1, %run_scoped3A, %dma_wait3A_53, %dma_wait3A_54] : memref<16x160x2x128xi32, #tpu.memory_space<hbm>> -> memref<1x1x2x128xi32, #tpu.memory_space<hbm>>
        %dma_wait3A_56 = tpu.memref_squeeze %dma_wait3A_55 : memref<1x1x2x128xi32, #tpu.memory_space<hbm>> -> memref<2x128xi32, #tpu.memory_space<hbm>>
        tpu.wait_dma2 semaphore(%run_scoped3A_41 : memref<!tpu.dma_semaphore, #tpu.memory_space<semaphore_mem>>) src(%dma_wait3A_56 : memref<2x128xi32, #tpu.memory_space<hbm>>) dst(%arg7 : memref<2x128xi32, #tpu.memory_space<vmem>>)
        tpu.yield
      }) : () -> ()
      %dma_start3A = arith.constant 0 : i32
      %dma_start3A_29 = arith.constant 0 : i32
      %dma_start3A_30 = tpu.memref_slice %arg7[%dma_start3A, %dma_start3A_29] : memref<2x128xi32, #tpu.memory_space<vmem>> -> memref<1x128xi32, #tpu.memory_space<vmem>>
      %dma_start3A_31 = tpu.memref_squeeze %dma_start3A_30 : memref<1x128xi32, #tpu.memory_space<vmem>> -> memref<128xi32, #tpu.memory_space<vmem>>
      %dma_start3A_32 = arith.constant 0 : i32
      %dma_start3A_33 = arith.constant 0 : i32
      %dma_start3A_34 = tpu.memref_slice %arg3[%dma_start3A_32, %dma_start3A_33] : memref<10240x128xf32, #tpu.memory_space<hbm>> -> memref<10240x128xf32, #tpu.memory_space<hbm>>
      tpu.enqueue_indirect_dma source(%dma_start3A_34 : memref<10240x128xf32, #tpu.memory_space<hbm>>) target(%arg9 : memref<128x128xf32, #tpu.memory_space<vmem>>) offsets(%dma_start3A_31 : memref<128xi32, #tpu.memory_space<vmem>>) semaphore(%arg12 : memref<!tpu.dma_semaphore, #tpu.memory_space<semaphore_mem>>)
      %scan3A = arith.constant 0 : i32
      %scan3A_35 = arith.constant 0 : i32
      %scan3A_36 = arith.constant 80 : i32
      %scan3A_37 = arith.addi %scan3A_35, %scan3A_36 : i32
      %scan3A_38 = arith.constant 1 : i32
      %scan3A_39 = scf.for %scan3A_41 = %scan3A_35 to %scan3A_37 step %scan3A_38 iter_args(%scan3A_42 = %scan3A) -> (i32)  : i32 {
        %mul3A_43 = arith.constant 2 : i32
        %mul3A_44 = arith.muli %mul3A_43, %scan3A_41 : i32
        %dma_wait3A = arith.constant 0 : i32
        %dma_wait3A_45 = arith.constant 0 : i32
        %dma_wait3A_46 = tpu.memref_slice %arg7[%dma_wait3A, %dma_wait3A_45] : memref<2x128xi32, #tpu.memory_space<vmem>> -> memref<1x128xi32, #tpu.memory_space<vmem>>
        %dma_wait3A_47 = tpu.memref_squeeze %dma_wait3A_46 : memref<1x128xi32, #tpu.memory_space<vmem>> -> memref<128xi32, #tpu.memory_space<vmem>>
        %dma_wait3A_48 = arith.constant 0 : i32
        %dma_wait3A_49 = arith.constant 0 : i32
        %dma_wait3A_50 = tpu.memref_slice %arg3[%dma_wait3A_48, %dma_wait3A_49] : memref<10240x128xf32, #tpu.memory_space<hbm>> -> memref<10240x128xf32, #tpu.memory_space<hbm>>
        tpu.wait_indirect_dma semaphore(%arg12 : memref<!tpu.dma_semaphore, #tpu.memory_space<semaphore_mem>>) src(%dma_wait3A_50 : memref<10240x128xf32, #tpu.memory_space<hbm>>) dst(%arg9 : memref<128x128xf32, #tpu.memory_space<vmem>>)
        %add3A = arith.constant 1 : i32
        %add3A_51 = arith.addi %mul3A_44, %add3A : i32
        "tpu.region"() ({
          %run_scoped3A_75 = tpu.sem_alloc : memref<!tpu.dma_semaphore, #tpu.memory_space<semaphore_mem>>
          %dma_start3A_76 = arith.constant 0 : i32
          %dma_start3A_77 = arith.constant 0 : i32
          %dma_start3A_78 = tpu.memref_slice %arg4[%arg1, %add3A_51, %dma_start3A_76, %dma_start3A_77] : memref<16x160x2x128xi32, #tpu.memory_space<hbm>> -> memref<1x1x2x128xi32, #tpu.memory_space<hbm>>
          %dma_start3A_79 = tpu.memref_squeeze %dma_start3A_78 : memref<1x1x2x128xi32, #tpu.memory_space<hbm>> -> memref<2x128xi32, #tpu.memory_space<hbm>>
          %dma_start3A_80 = arith.constant 0 : i32
          %dma_start3A_81 = arith.constant 0 : i32
          %dma_start3A_82 = tpu.memref_slice %arg4[%arg1, %add3A_51, %dma_start3A_80, %dma_start3A_81] : memref<16x160x2x128xi32, #tpu.memory_space<hbm>> -> memref<1x1x2x128xi32, #tpu.memory_space<hbm>>
          %dma_start3A_83 = tpu.memref_squeeze %dma_start3A_82 : memref<1x1x2x128xi32, #tpu.memory_space<hbm>> -> memref<2x128xi32, #tpu.memory_space<hbm>>
          tpu.enqueue_dma source(%dma_start3A_83 : memref<2x128xi32, #tpu.memory_space<hbm>>) target(%arg8 : memref<2x128xi32, #tpu.memory_space<vmem>>) target_semaphore(%run_scoped3A_75 : memref<!tpu.dma_semaphore, #tpu.memory_space<semaphore_mem>>)
          %dma_wait3A_84 = arith.constant 0 : i32
          %dma_wait3A_85 = arith.constant 0 : i32
          %dma_wait3A_86 = tpu.memref_slice %arg4[%arg1, %add3A_51, %dma_wait3A_84, %dma_wait3A_85] : memref<16x160x2x128xi32, #tpu.memory_space<hbm>> -> memref<1x1x2x128xi32, #tpu.memory_space<hbm>>
          %dma_wait3A_87 = tpu.memref_squeeze %dma_wait3A_86 : memref<1x1x2x128xi32, #tpu.memory_space<hbm>> -> memref<2x128xi32, #tpu.memory_space<hbm>>
          %dma_wait3A_88 = arith.constant 0 : i32
          %dma_wait3A_89 = arith.constant 0 : i32
          %dma_wait3A_90 = tpu.memref_slice %arg4[%arg1, %add3A_51, %dma_wait3A_88, %dma_wait3A_89] : memref<16x160x2x128xi32, #tpu.memory_space<hbm>> -> memref<1x1x2x128xi32, #tpu.memory_space<hbm>>
          %dma_wait3A_91 = tpu.memref_squeeze %dma_wait3A_90 : memref<1x1x2x128xi32, #tpu.memory_space<hbm>> -> memref<2x128xi32, #tpu.memory_space<hbm>>
          tpu.wait_dma2 semaphore(%run_scoped3A_75 : memref<!tpu.dma_semaphore, #tpu.memory_space<semaphore_mem>>) src(%dma_wait3A_91 : memref<2x128xi32, #tpu.memory_space<hbm>>) dst(%arg8 : memref<2x128xi32, #tpu.memory_space<vmem>>)
          tpu.yield
        }) : () -> ()
        %dma_start3A_52 = arith.constant 0 : i32
        %dma_start3A_53 = arith.constant 0 : i32
        %dma_start3A_54 = tpu.memref_slice %arg8[%dma_start3A_52, %dma_start3A_53] : memref<2x128xi32, #tpu.memory_space<vmem>> -> memref<1x128xi32, #tpu.memory_space<vmem>>
        %dma_start3A_55 = tpu.memref_squeeze %dma_start3A_54 : memref<1x128xi32, #tpu.memory_space<vmem>> -> memref<128xi32, #tpu.memory_space<vmem>>
        %dma_start3A_56 = arith.constant 0 : i32
        %dma_start3A_57 = arith.constant 0 : i32
        %dma_start3A_58 = tpu.memref_slice %arg3[%dma_start3A_56, %dma_start3A_57] : memref<10240x128xf32, #tpu.memory_space<hbm>> -> memref<10240x128xf32, #tpu.memory_space<hbm>>
        tpu.enqueue_indirect_dma source(%dma_start3A_58 : memref<10240x128xf32, #tpu.memory_space<hbm>>) target(%arg10 : memref<128x128xf32, #tpu.memory_space<vmem>>) offsets(%dma_start3A_55 : memref<128xi32, #tpu.memory_space<vmem>>) semaphore(%arg13 : memref<!tpu.dma_semaphore, #tpu.memory_space<semaphore_mem>>)
        %run_scoped3A_59 = arith.constant 1 : i32
        "tpu.region"() ({
          %run_scoped3A_75 = tpu.sem_alloc : memref<!tpu.dma_semaphore, #tpu.memory_space<semaphore_mem>>
          %dma_start3A_76 = arith.constant 0 : i32
          %dma_start3A_77 = tpu.memref_slice %arg7[%run_scoped3A_59, %dma_start3A_76] : memref<2x128xi32, #tpu.memory_space<vmem>> -> memref<1x128xi32, #tpu.memory_space<vmem>>
          %dma_start3A_78 = tpu.memref_squeeze %dma_start3A_77 : memref<1x128xi32, #tpu.memory_space<vmem>> -> memref<128xi32, #tpu.memory_space<vmem>>
          %dma_start3A_79 = arith.constant 0 : i32
          %dma_start3A_80 = arith.constant 0 : i32
          %dma_start3A_81 = tpu.memref_slice %arg11[%dma_start3A_79, %dma_start3A_80] : memref<10240x128xf32, #tpu.memory_space<vmem_shared>> -> memref<10240x128xf32, #tpu.memory_space<vmem_shared>>
          tpu.enqueue_indirect_dma source(%arg9 : memref<128x128xf32, #tpu.memory_space<vmem>>) target(%dma_start3A_81 : memref<10240x128xf32, #tpu.memory_space<vmem_shared>>) offsets(%dma_start3A_78 : memref<128xi32, #tpu.memory_space<vmem>>) semaphore(%run_scoped3A_75 : memref<!tpu.dma_semaphore, #tpu.memory_space<semaphore_mem>>) {add = true}
          %dma_wait3A_82 = arith.constant 0 : i32
          %dma_wait3A_83 = tpu.memref_slice %arg7[%run_scoped3A_59, %dma_wait3A_82] : memref<2x128xi32, #tpu.memory_space<vmem>> -> memref<1x128xi32, #tpu.memory_space<vmem>>
          %dma_wait3A_84 = tpu.memref_squeeze %dma_wait3A_83 : memref<1x128xi32, #tpu.memory_space<vmem>> -> memref<128xi32, #tpu.memory_space<vmem>>
          %dma_wait3A_85 = arith.constant 0 : i32
          %dma_wait3A_86 = arith.constant 0 : i32
          %dma_wait3A_87 = tpu.memref_slice %arg11[%dma_wait3A_85, %dma_wait3A_86] : memref<10240x128xf32, #tpu.memory_space<vmem_shared>> -> memref<10240x128xf32, #tpu.memory_space<vmem_shared>>
          tpu.wait_indirect_dma semaphore(%run_scoped3A_75 : memref<!tpu.dma_semaphore, #tpu.memory_space<semaphore_mem>>) src(%arg9 : memref<128x128xf32, #tpu.memory_space<vmem>>) dst(%dma_wait3A_87 : memref<10240x128xf32, #tpu.memory_space<vmem_shared>>)
          tpu.yield
        }) : () -> ()
        %add3A_60 = arith.constant 2 : i32
        %add3A_61 = arith.addi %mul3A_44, %add3A_60 : i32
        %lt3A = arith.constant 160 : i32
        %lt3A_62 = arith.cmpi slt, %add3A_61, %lt3A : i32
        %convert_element_type3A_63 = arith.extui %lt3A_62 : i1 to i32
        %cond3A_64 = arith.constant 0 : i32
        %cond3A_65 = arith.cmpi ne, %convert_element_type3A_63, %cond3A_64 : i32
        scf.if %cond3A_65 {
          %add3A_75 = arith.constant 2 : i32
          %add3A_76 = arith.addi %mul3A_44, %add3A_75 : i32
          "tpu.region"() ({
            %run_scoped3A_84 = tpu.sem_alloc : memref<!tpu.dma_semaphore, #tpu.memory_space<semaphore_mem>>
            %dma_start3A_85 = arith.constant 0 : i32
            %dma_start3A_86 = arith.constant 0 : i32
            %dma_start3A_87 = tpu.memref_slice %arg4[%arg1, %add3A_76, %dma_start3A_85, %dma_start3A_86] : memref<16x160x2x128xi32, #tpu.memory_space<hbm>> -> memref<1x1x2x128xi32, #tpu.memory_space<hbm>>
            %dma_start3A_88 = tpu.memref_squeeze %dma_start3A_87 : memref<1x1x2x128xi32, #tpu.memory_space<hbm>> -> memref<2x128xi32, #tpu.memory_space<hbm>>
            %dma_start3A_89 = arith.constant 0 : i32
            %dma_start3A_90 = arith.constant 0 : i32
            %dma_start3A_91 = tpu.memref_slice %arg4[%arg1, %add3A_76, %dma_start3A_89, %dma_start3A_90] : memref<16x160x2x128xi32, #tpu.memory_space<hbm>> -> memref<1x1x2x128xi32, #tpu.memory_space<hbm>>
            %dma_start3A_92 = tpu.memref_squeeze %dma_start3A_91 : memref<1x1x2x128xi32, #tpu.memory_space<hbm>> -> memref<2x128xi32, #tpu.memory_space<hbm>>
            tpu.enqueue_dma source(%dma_start3A_92 : memref<2x128xi32, #tpu.memory_space<hbm>>) target(%arg7 : memref<2x128xi32, #tpu.memory_space<vmem>>) target_semaphore(%run_scoped3A_84 : memref<!tpu.dma_semaphore, #tpu.memory_space<semaphore_mem>>)
            %dma_wait3A_93 = arith.constant 0 : i32
            %dma_wait3A_94 = arith.constant 0 : i32
            %dma_wait3A_95 = tpu.memref_slice %arg4[%arg1, %add3A_76, %dma_wait3A_93, %dma_wait3A_94] : memref<16x160x2x128xi32, #tpu.memory_space<hbm>> -> memref<1x1x2x128xi32, #tpu.memory_space<hbm>>
            %dma_wait3A_96 = tpu.memref_squeeze %dma_wait3A_95 : memref<1x1x2x128xi32, #tpu.memory_space<hbm>> -> memref<2x128xi32, #tpu.memory_space<hbm>>
            %dma_wait3A_97 = arith.constant 0 : i32
            %dma_wait3A_98 = arith.constant 0 : i32
            %dma_wait3A_99 = tpu.memref_slice %arg4[%arg1, %add3A_76, %dma_wait3A_97, %dma_wait3A_98] : memref<16x160x2x128xi32, #tpu.memory_space<hbm>> -> memref<1x1x2x128xi32, #tpu.memory_space<hbm>>
            %dma_wait3A_100 = tpu.memref_squeeze %dma_wait3A_99 : memref<1x1x2x128xi32, #tpu.memory_space<hbm>> -> memref<2x128xi32, #tpu.memory_space<hbm>>
            tpu.wait_dma2 semaphore(%run_scoped3A_84 : memref<!tpu.dma_semaphore, #tpu.memory_space<semaphore_mem>>) src(%dma_wait3A_100 : memref<2x128xi32, #tpu.memory_space<hbm>>) dst(%arg7 : memref<2x128xi32, #tpu.memory_space<vmem>>)
            tpu.yield
          }) : () -> ()
          %dma_start3A_77 = arith.constant 0 : i32
          %dma_start3A_78 = arith.constant 0 : i32
          %dma_start3A_79 = tpu.memref_slice %arg7[%dma_start3A_77, %dma_start3A_78] : memref<2x128xi32, #tpu.memory_space<vmem>> -> memref<1x128xi32, #tpu.memory_space<vmem>>
          %dma_start3A_80 = tpu.memref_squeeze %dma_start3A_79 : memref<1x128xi32, #tpu.memory_space<vmem>> -> memref<128xi32, #tpu.memory_space<vmem>>
          %dma_start3A_81 = arith.constant 0 : i32
          %dma_start3A_82 = arith.constant 0 : i32
          %dma_start3A_83 = tpu.memref_slice %arg3[%dma_start3A_81, %dma_start3A_82] : memref<10240x128xf32, #tpu.memory_space<hbm>> -> memref<10240x128xf32, #tpu.memory_space<hbm>>
          tpu.enqueue_indirect_dma source(%dma_start3A_83 : memref<10240x128xf32, #tpu.memory_space<hbm>>) target(%arg9 : memref<128x128xf32, #tpu.memory_space<vmem>>) offsets(%dma_start3A_80 : memref<128xi32, #tpu.memory_space<vmem>>) semaphore(%arg12 : memref<!tpu.dma_semaphore, #tpu.memory_space<semaphore_mem>>)
        } else {
        }
        %dma_wait3A_66 = arith.constant 0 : i32
        %dma_wait3A_67 = arith.constant 0 : i32
        %dma_wait3A_68 = tpu.memref_slice %arg8[%dma_wait3A_66, %dma_wait3A_67] : memref<2x128xi32, #tpu.memory_space<vmem>> -> memref<1x128xi32, #tpu.memory_space<vmem>>
        %dma_wait3A_69 = tpu.memref_squeeze %dma_wait3A_68 : memref<1x128xi32, #tpu.memory_space<vmem>> -> memref<128xi32, #tpu.memory_space<vmem>>
        %dma_wait3A_70 = arith.constant 0 : i32
        %dma_wait3A_71 = arith.constant 0 : i32
        %dma_wait3A_72 = tpu.memref_slice %arg3[%dma_wait3A_70, %dma_wait3A_71] : memref<10240x128xf32, #tpu.memory_space<hbm>> -> memref<10240x128xf32, #tpu.memory_space<hbm>>
        tpu.wait_indirect_dma semaphore(%arg13 : memref<!tpu.dma_semaphore, #tpu.memory_space<semaphore_mem>>) src(%dma_wait3A_72 : memref<10240x128xf32, #tpu.memory_space<hbm>>) dst(%arg10 : memref<128x128xf32, #tpu.memory_space<vmem>>)
        %run_scoped3A_73 = arith.constant 1 : i32
        "tpu.region"() ({
          %run_scoped3A_75 = tpu.sem_alloc : memref<!tpu.dma_semaphore, #tpu.memory_space<semaphore_mem>>
          %dma_start3A_76 = arith.constant 0 : i32
          %dma_start3A_77 = tpu.memref_slice %arg8[%run_scoped3A_73, %dma_start3A_76] : memref<2x128xi32, #tpu.memory_space<vmem>> -> memref<1x128xi32, #tpu.memory_space<vmem>>
          %dma_start3A_78 = tpu.memref_squeeze %dma_start3A_77 : memref<1x128xi32, #tpu.memory_space<vmem>> -> memref<128xi32, #tpu.memory_space<vmem>>
          %dma_start3A_79 = arith.constant 0 : i32
          %dma_start3A_80 = arith.constant 0 : i32
          %dma_start3A_81 = tpu.memref_slice %arg11[%dma_start3A_79, %dma_start3A_80] : memref<10240x128xf32, #tpu.memory_space<vmem_shared>> -> memref<10240x128xf32, #tpu.memory_space<vmem_shared>>
          tpu.enqueue_indirect_dma source(%arg10 : memref<128x128xf32, #tpu.memory_space<vmem>>) target(%dma_start3A_81 : memref<10240x128xf32, #tpu.memory_space<vmem_shared>>) offsets(%dma_start3A_78 : memref<128xi32, #tpu.memory_space<vmem>>) semaphore(%run_scoped3A_75 : memref<!tpu.dma_semaphore, #tpu.memory_space<semaphore_mem>>) {add = true}
          %dma_wait3A_82 = arith.constant 0 : i32
          %dma_wait3A_83 = tpu.memref_slice %arg8[%run_scoped3A_73, %dma_wait3A_82] : memref<2x128xi32, #tpu.memory_space<vmem>> -> memref<1x128xi32, #tpu.memory_space<vmem>>
          %dma_wait3A_84 = tpu.memref_squeeze %dma_wait3A_83 : memref<1x128xi32, #tpu.memory_space<vmem>> -> memref<128xi32, #tpu.memory_space<vmem>>
          %dma_wait3A_85 = arith.constant 0 : i32
          %dma_wait3A_86 = arith.constant 0 : i32
          %dma_wait3A_87 = tpu.memref_slice %arg11[%dma_wait3A_85, %dma_wait3A_86] : memref<10240x128xf32, #tpu.memory_space<vmem_shared>> -> memref<10240x128xf32, #tpu.memory_space<vmem_shared>>
          tpu.wait_indirect_dma semaphore(%run_scoped3A_75 : memref<!tpu.dma_semaphore, #tpu.memory_space<semaphore_mem>>) src(%arg10 : memref<128x128xf32, #tpu.memory_space<vmem>>) dst(%dma_wait3A_87 : memref<10240x128xf32, #tpu.memory_space<vmem_shared>>)
          tpu.yield
        }) : () -> ()
        %scan3A_74 = arith.constant 0 : i32
        scf.yield %scan3A_74 : i32
      }
      %scan3A_40 = arith.constant 80 : i32
    } else {
    }
    %barrier3A_18 = arith.constant 0 : index
    tpu.barrier barrier_id(%barrier3A_18)
    %eq3A_19 = arith.constant 0 : i32
    %eq3A_20 = arith.cmpi eq, %arg0, %eq3A_19 : i32
    %convert_element_type3A_21 = arith.extui %eq3A_20 : i1 to i32
    %cond3A_22 = arith.constant 0 : i32
    %cond3A_23 = arith.cmpi ne, %convert_element_type3A_21, %cond3A_22 : i32
    scf.if %cond3A_23 {
      "tpu.region"() ({
        %run_scoped3A = tpu.sem_alloc : memref<!tpu.dma_semaphore, #tpu.memory_space<semaphore_mem>>
        %dma_start3A = arith.constant 0 : i32
        %dma_start3A_29 = tpu.memref_slice %arg5[%mul3A_0, %dma_start3A] : memref<10240x128xf32, #tpu.memory_space<hbm>> -> memref<640x128xf32, #tpu.memory_space<hbm>>
        %dma_start3A_30 = arith.constant 0 : i32
        %dma_start3A_31 = tpu.memref_slice %arg11[%mul3A_0, %dma_start3A_30] : memref<10240x128xf32, #tpu.memory_space<vmem_shared>> -> memref<640x128xf32, #tpu.memory_space<vmem_shared>>
        tpu.enqueue_dma source(%dma_start3A_31 : memref<640x128xf32, #tpu.memory_space<vmem_shared>>) target(%dma_start3A_29 : memref<640x128xf32, #tpu.memory_space<hbm>>) target_semaphore(%run_scoped3A : memref<!tpu.dma_semaphore, #tpu.memory_space<semaphore_mem>>)
        %dma_wait3A = arith.constant 0 : i32
        %dma_wait3A_32 = tpu.memref_slice %arg5[%mul3A_0, %dma_wait3A] : memref<10240x128xf32, #tpu.memory_space<hbm>> -> memref<640x128xf32, #tpu.memory_space<hbm>>
        %dma_wait3A_33 = arith.constant 0 : i32
        %dma_wait3A_34 = tpu.memref_slice %arg11[%mul3A_0, %dma_wait3A_33] : memref<10240x128xf32, #tpu.memory_space<vmem_shared>> -> memref<640x128xf32, #tpu.memory_space<vmem_shared>>
        tpu.wait_dma2 semaphore(%run_scoped3A : memref<!tpu.dma_semaphore, #tpu.memory_space<semaphore_mem>>) src(%dma_wait3A_34 : memref<640x128xf32, #tpu.memory_space<vmem_shared>>) dst(%dma_wait3A_32 : memref<640x128xf32, #tpu.memory_space<hbm>>)
        tpu.yield
      }) : () -> ()
    } else {
    }
    %eq3A_24 = arith.constant 1 : i32
    %eq3A_25 = arith.cmpi eq, %arg0, %eq3A_24 : i32
    %convert_element_type3A_26 = arith.extui %eq3A_25 : i1 to i32
    %cond3A_27 = arith.constant 0 : i32
    %cond3A_28 = arith.cmpi ne, %convert_element_type3A_26, %cond3A_27 : i32
    scf.if %cond3A_28 {
      "tpu.region"() ({
        %run_scoped3A = tpu.sem_alloc : memref<!tpu.dma_semaphore, #tpu.memory_space<semaphore_mem>>
        %dma_start3A = arith.constant 0 : i32
        %dma_start3A_29 = tpu.memref_slice %arg6[%mul3A_0, %dma_start3A] : memref<10240x128xf32, #tpu.memory_space<hbm>> -> memref<640x128xf32, #tpu.memory_space<hbm>>
        %dma_start3A_30 = arith.constant 0 : i32
        %dma_start3A_31 = tpu.memref_slice %arg11[%mul3A_0, %dma_start3A_30] : memref<10240x128xf32, #tpu.memory_space<vmem_shared>> -> memref<640x128xf32, #tpu.memory_space<vmem_shared>>
        tpu.enqueue_dma source(%dma_start3A_31 : memref<640x128xf32, #tpu.memory_space<vmem_shared>>) target(%dma_start3A_29 : memref<640x128xf32, #tpu.memory_space<hbm>>) target_semaphore(%run_scoped3A : memref<!tpu.dma_semaphore, #tpu.memory_space<semaphore_mem>>)
        %dma_wait3A = arith.constant 0 : i32
        %dma_wait3A_32 = tpu.memref_slice %arg6[%mul3A_0, %dma_wait3A] : memref<10240x128xf32, #tpu.memory_space<hbm>> -> memref<640x128xf32, #tpu.memory_space<hbm>>
        %dma_wait3A_33 = arith.constant 0 : i32
        %dma_wait3A_34 = tpu.memref_slice %arg11[%mul3A_0, %dma_wait3A_33] : memref<10240x128xf32, #tpu.memory_space<vmem_shared>> -> memref<640x128xf32, #tpu.memory_space<vmem_shared>>
        tpu.wait_dma2 semaphore(%run_scoped3A : memref<!tpu.dma_semaphore, #tpu.memory_space<semaphore_mem>>) src(%dma_wait3A_34 : memref<640x128xf32, #tpu.memory_space<vmem_shared>>) dst(%dma_wait3A_32 : memref<640x128xf32, #tpu.memory_space<hbm>>)
        tpu.yield
      }) : () -> ()
    } else {
    }
    return
  }
}

module attributes {stable_mosaic.version = 14 : i64} {
  func.func @_mm1_body(%arg0: i32, %arg1: memref<512x128xf32, #tpu.memory_space<vmem>>, %arg2: memref<128x256xf32, #tpu.memory_space<vmem>>, %arg3: memref<1x256xf32, #tpu.memory_space<vmem>>, %arg4: memref<512x1xf32, #tpu.memory_space<vmem>>, %arg5: memref<512x128xf32, #tpu.memory_space<vmem>>, %arg6: memref<512x128xf32, #tpu.memory_space<vmem>>, %arg7: memref<512x1xf32, #tpu.memory_space<vmem>>) attributes {dimension_semantics = [#tpu.dimension_semantics<arbitrary>], iteration_bounds = array<i64: 20>, scalar_prefetch = 0 : i64, scratch_operands = 0 : i64, tpu.core_type = #tpu.core_type<tc>, window_params = [{transform_indices = @transform_0, window_bounds = array<i64: 512, 128>}, {pipeline_mode = #tpu.pipeline_mode<synchronous>, transform_indices = @transform_1, window_bounds = array<i64: 128, 256>}, {pipeline_mode = #tpu.pipeline_mode<synchronous>, transform_indices = @transform_2, window_bounds = array<i64: 1, 256>}, {transform_indices = @transform_3, window_bounds = array<i64: 512, 1>}, {transform_indices = @transform_4, window_bounds = array<i64: 512, 128>}, {transform_indices = @transform_5, window_bounds = array<i64: 512, 128>}, {transform_indices = @transform_6, window_bounds = array<i64: 512, 1>}]} {
    %get3A = arith.constant 0 : index
    %get3A_0 = arith.constant 0 : index
    %get3A_1 = vector.load %arg4[%get3A, %get3A_0] : memref<512x1xf32, #tpu.memory_space<vmem>>, vector<512x1xf32>
    %rsqrt3A = math.rsqrt %get3A_1 : vector<512x1xf32>
    %get3A_2 = arith.constant 0 : index
    %get3A_3 = arith.constant 0 : index
    %get3A_4 = vector.load %arg1[%get3A_2, %get3A_3] : memref<512x128xf32, #tpu.memory_space<vmem>>, vector<512x128xf32>
    %get3A_5 = arith.constant 0 : index
    %get3A_6 = arith.constant 0 : index
    %get3A_7 = vector.load %arg2[%get3A_5, %get3A_6] : memref<128x256xf32, #tpu.memory_space<vmem>>, vector<128x256xf32>
    %dot_general3A = arith.constant dense<0.000000e+00> : vector<512x256xf32>
    %dot_general3A_8 = tpu.matmul %get3A_4, %get3A_7, %dot_general3A {dimension_numbers = #tpu.dot_dimension_numbers<[1], [0], [0], [1], [0, 0, 1, 1], [], []>, transpose_lhs_hint = false} : vector<512x128xf32>, vector<128x256xf32>, vector<512x256xf32> -> vector<512x256xf32>
    %get3A_9 = arith.constant 0 : index
    %get3A_10 = arith.constant 0 : index
    %get3A_11 = vector.load %arg3[%get3A_9, %get3A_10] : memref<1x256xf32, #tpu.memory_space<vmem>>, vector<1x256xf32>
    %add3A = vector.broadcast %get3A_11 : vector<1x256xf32> to vector<512x256xf32>
    %add3A_12 = arith.addf %dot_general3A_8, %add3A : vector<512x256xf32>
    %mul3A = vector.broadcast %rsqrt3A : vector<512x1xf32> to vector<512x256xf32>
    %mul3A_13 = arith.mulf %add3A_12, %mul3A : vector<512x256xf32>
    %slice3A = vector.extract_strided_slice %mul3A_13 {offsets = [0, 0], sizes = [512, 128], strides = [1, 1]} : vector<512x256xf32> to vector<512x128xf32>
    %swap3A = arith.constant 0 : index
    %swap3A_14 = arith.constant 0 : index
    %swap3A_15 = vector.load %arg5[%swap3A, %swap3A_14] : memref<512x128xf32, #tpu.memory_space<vmem>>, vector<512x128xf32>
    tpu.vector_store %arg5[%swap3A, %swap3A_14], %slice3A {strides = array<i32>} : memref<512x128xf32, #tpu.memory_space<vmem>>, vector<512x128xf32>,
    %slice3A_16 = vector.extract_strided_slice %mul3A_13 {offsets = [0, 128], sizes = [512, 128], strides = [1, 1]} : vector<512x256xf32> to vector<512x128xf32>
    %swap3A_17 = arith.constant 0 : index
    %swap3A_18 = arith.constant 0 : index
    %swap3A_19 = vector.load %arg6[%swap3A_17, %swap3A_18] : memref<512x128xf32, #tpu.memory_space<vmem>>, vector<512x128xf32>
    tpu.vector_store %arg6[%swap3A_17, %swap3A_18], %slice3A_16 {strides = array<i32>} : memref<512x128xf32, #tpu.memory_space<vmem>>, vector<512x128xf32>,
    %swap3A_20 = arith.constant 0 : index
    %swap3A_21 = arith.constant 0 : index
    %swap3A_22 = vector.load %arg7[%swap3A_20, %swap3A_21] : memref<512x1xf32, #tpu.memory_space<vmem>>, vector<512x1xf32>
    tpu.vector_store %arg7[%swap3A_20, %swap3A_21], %rsqrt3A {strides = array<i32>} : memref<512x1xf32, #tpu.memory_space<vmem>>, vector<512x1xf32>,
    return
  }
  func.func @transform_0(%arg0: i32) -> (i32, i32) {
    %c0_i32 = arith.constant 0 : i32
    %c0_i32_0 = arith.constant 0 : i32
    return %arg0, %c0_i32 : i32, i32
  }
  func.func @transform_1(%arg0: i32) -> (i32, i32) {
    %c0_i32 = arith.constant 0 : i32
    %c0_i32_0 = arith.constant 0 : i32
    %c0_i32_1 = arith.constant 0 : i32
    return %c0_i32, %c0_i32_0 : i32, i32
  }
  func.func @transform_2(%arg0: i32) -> (i32, i32) {
    %c0_i32 = arith.constant 0 : i32
    %c0_i32_0 = arith.constant 0 : i32
    %c0_i32_1 = arith.constant 0 : i32
    return %c0_i32, %c0_i32_0 : i32, i32
  }
  func.func @transform_3(%arg0: i32) -> (i32, i32) {
    %c0_i32 = arith.constant 0 : i32
    %c0_i32_0 = arith.constant 0 : i32
    return %arg0, %c0_i32 : i32, i32
  }
  func.func @transform_4(%arg0: i32) -> (i32, i32) {
    %c0_i32 = arith.constant 0 : i32
    %c0_i32_0 = arith.constant 0 : i32
    return %arg0, %c0_i32 : i32, i32
  }
  func.func @transform_5(%arg0: i32) -> (i32, i32) {
    %c0_i32 = arith.constant 0 : i32
    %c0_i32_0 = arith.constant 0 : i32
    return %arg0, %c0_i32 : i32, i32
  }
  func.func @transform_6(%arg0: i32) -> (i32, i32) {
    %c0_i32 = arith.constant 0 : i32
    %c0_i32_0 = arith.constant 0 : i32
    return %arg0, %c0_i32 : i32, i32
  }
}

module attributes {stable_mosaic.version = 14 : i64} {
  func.func @_mm2_body(%arg0: i32, %arg1: memref<512x128xf32, #tpu.memory_space<vmem>>, %arg2: memref<512x128xf32, #tpu.memory_space<vmem>>, %arg3: memref<512x1xf32, #tpu.memory_space<vmem>>, %arg4: memref<128x1xf32, #tpu.memory_space<vmem>>, %arg5: memref<128x1xf32, #tpu.memory_space<vmem>>, %arg6: memref<1x1xf32, #tpu.memory_space<vmem>>, %arg7: memref<512x1xf32, #tpu.memory_space<vmem>>) attributes {dimension_semantics = [#tpu.dimension_semantics<arbitrary>], iteration_bounds = array<i64: 20>, scalar_prefetch = 0 : i64, scratch_operands = 0 : i64, tpu.core_type = #tpu.core_type<tc>, window_params = [{transform_indices = @transform_0, window_bounds = array<i64: 512, 128>}, {transform_indices = @transform_1, window_bounds = array<i64: 512, 128>}, {transform_indices = @transform_2, window_bounds = array<i64: 512, 1>}, {pipeline_mode = #tpu.pipeline_mode<synchronous>, transform_indices = @transform_3, window_bounds = array<i64: 128, 1>}, {pipeline_mode = #tpu.pipeline_mode<synchronous>, transform_indices = @transform_4, window_bounds = array<i64: 128, 1>}, {pipeline_mode = #tpu.pipeline_mode<synchronous>, transform_indices = @transform_5, window_bounds = array<i64: 1, 1>}, {transform_indices = @transform_6, window_bounds = array<i64: 512, 1>}]} {
    %get3A = arith.constant 0 : index
    %get3A_0 = arith.constant 0 : index
    %get3A_1 = vector.load %arg3[%get3A, %get3A_0] : memref<512x1xf32, #tpu.memory_space<vmem>>, vector<512x1xf32>
    %get3A_2 = arith.constant 0 : index
    %get3A_3 = arith.constant 0 : index
    %get3A_4 = vector.load %arg1[%get3A_2, %get3A_3] : memref<512x128xf32, #tpu.memory_space<vmem>>, vector<512x128xf32>
    %mul3A = vector.broadcast %get3A_1 : vector<512x1xf32> to vector<512x128xf32>
    %mul3A_5 = arith.mulf %mul3A, %get3A_4 : vector<512x128xf32>
    %max3A = arith.constant 0.000000e+00 : f32
    %max3A_6 = vector.broadcast %max3A : f32 to vector<512x128xf32>
    %max3A_7 = arith.maximumf %mul3A_5, %max3A_6 : vector<512x128xf32>
    %get3A_8 = arith.constant 0 : index
    %get3A_9 = arith.constant 0 : index
    %get3A_10 = vector.load %arg2[%get3A_8, %get3A_9] : memref<512x128xf32, #tpu.memory_space<vmem>>, vector<512x128xf32>
    %mul3A_11 = vector.broadcast %get3A_1 : vector<512x1xf32> to vector<512x128xf32>
    %mul3A_12 = arith.mulf %mul3A_11, %get3A_10 : vector<512x128xf32>
    %max3A_13 = arith.constant 0.000000e+00 : f32
    %max3A_14 = vector.broadcast %max3A_13 : f32 to vector<512x128xf32>
    %max3A_15 = arith.maximumf %mul3A_12, %max3A_14 : vector<512x128xf32>
    %get3A_16 = arith.constant 0 : index
    %get3A_17 = arith.constant 0 : index
    %get3A_18 = vector.load %arg4[%get3A_16, %get3A_17] : memref<128x1xf32, #tpu.memory_space<vmem>>, vector<128x1xf32>
    %dot_general3A = arith.constant dense<0.000000e+00> : vector<512x1xf32>
    %dot_general3A_19 = tpu.matmul %max3A_7, %get3A_18, %dot_general3A {dimension_numbers = #tpu.dot_dimension_numbers<[1], [0], [0], [1], [0, 0, 1, 1], [], []>, transpose_lhs_hint = false} : vector<512x128xf32>, vector<128x1xf32>, vector<512x1xf32> -> vector<512x1xf32>
    %get3A_20 = arith.constant 0 : index
    %get3A_21 = arith.constant 0 : index
    %get3A_22 = vector.load %arg5[%get3A_20, %get3A_21] : memref<128x1xf32, #tpu.memory_space<vmem>>, vector<128x1xf32>
    %dot_general3A_23 = arith.constant dense<0.000000e+00> : vector<512x1xf32>
    %dot_general3A_24 = tpu.matmul %max3A_15, %get3A_22, %dot_general3A_23 {dimension_numbers = #tpu.dot_dimension_numbers<[1], [0], [0], [1], [0, 0, 1, 1], [], []>, transpose_lhs_hint = false} : vector<512x128xf32>, vector<128x1xf32>, vector<512x1xf32> -> vector<512x1xf32>
    %add3A = arith.addf %dot_general3A_19, %dot_general3A_24 : vector<512x1xf32>
    %get3A_25 = arith.constant 0 : index
    %get3A_26 = arith.constant 0 : index
    %get3A_27 = vector.load %arg6[%get3A_25, %get3A_26] : memref<1x1xf32, #tpu.memory_space<vmem>>, vector<1x1xf32>
    %add3A_28 = vector.broadcast %get3A_27 : vector<1x1xf32> to vector<512x1xf32>
    %add3A_29 = arith.addf %add3A, %add3A_28 : vector<512x1xf32>
    %mul3A_30 = arith.mulf %get3A_1, %add3A_29 : vector<512x1xf32>
    %swap3A = arith.constant 0 : index
    %swap3A_31 = arith.constant 0 : index
    %swap3A_32 = vector.load %arg7[%swap3A, %swap3A_31] : memref<512x1xf32, #tpu.memory_space<vmem>>, vector<512x1xf32>
    tpu.vector_store %arg7[%swap3A, %swap3A_31], %mul3A_30 {strides = array<i32>} : memref<512x1xf32, #tpu.memory_space<vmem>>, vector<512x1xf32>,
    return
  }
  func.func @transform_0(%arg0: i32) -> (i32, i32) {
    %c0_i32 = arith.constant 0 : i32
    %c0_i32_0 = arith.constant 0 : i32
    return %arg0, %c0_i32 : i32, i32
  }
  func.func @transform_1(%arg0: i32) -> (i32, i32) {
    %c0_i32 = arith.constant 0 : i32
    %c0_i32_0 = arith.constant 0 : i32
    return %arg0, %c0_i32 : i32, i32
  }
  func.func @transform_2(%arg0: i32) -> (i32, i32) {
    %c0_i32 = arith.constant 0 : i32
    %c0_i32_0 = arith.constant 0 : i32
    return %arg0, %c0_i32 : i32, i32
  }
  func.func @transform_3(%arg0: i32) -> (i32, i32) {
    %c0_i32 = arith.constant 0 : i32
    %c0_i32_0 = arith.constant 0 : i32
    %c0_i32_1 = arith.constant 0 : i32
    return %c0_i32, %c0_i32_0 : i32, i32
  }
  func.func @transform_4(%arg0: i32) -> (i32, i32) {
    %c0_i32 = arith.constant 0 : i32
    %c0_i32_0 = arith.constant 0 : i32
    %c0_i32_1 = arith.constant 0 : i32
    return %c0_i32, %c0_i32_0 : i32, i32
  }
  func.func @transform_5(%arg0: i32) -> (i32, i32) {
    %c0_i32 = arith.constant 0 : i32
    %c0_i32_0 = arith.constant 0 : i32
    %c0_i32_1 = arith.constant 0 : i32
    return %c0_i32, %c0_i32_0 : i32, i32
  }
  func.func @transform_6(%arg0: i32) -> (i32, i32) {
    %c0_i32 = arith.constant 0 : i32
    %c0_i32_0 = arith.constant 0 : i32
    return %arg0, %c0_i32 : i32, i32
  }
}

</mosaic_0001>

<sc_bundles>
// kernel: kernel.10.cloned.1.call-start
scs
__scs_entry_jumppad:
0x0: {  	(pc) =	sbr.rel $0x88, $3  }
0x1: {  	(tag) =	ssettag $0x0;
	lr =	simm.s32 $0x1  }
0x2: {  	[smem:$0x3F9B] =	sst lr;
	_ =	strace $0xD0000000  }
0x3: {  	_ = 	snop  }
0x4: {  	_ = 	snop  }
0x5: {  	_ = 	snop  }
0x6: {  	_ = 	snop  }
0x7: {  	_ = 	snop  }
__scs_overlays_trampoline_lowered:
0x8: {  	[smem:$0x3FAA] =	sst s0  }
0x9: {  	[smem:$0x3FAB] =	sst s1  }
0xa: {  	[smem:$0x3FAC] =	sst s2  }
0xb: {  	[smem:$0x3FAD] =	sst s3  }
0xc: {  	[smem:$0x3FAE] =	sst s4  }
0xd: {  	[smem:$0x3FAF] =	sst s5  }
0xe: {  	[smem:$0x3FB0] =	sst s6  }
0xf: {  	[smem:$0x3FB1] =	sst s7  }
0x10: {  	[smem:$0x3FB2] =	sst s8  }
0x11: {  	[smem:$0x3FB3] =	sst s9;
	s0 =	simm.s32 @!p0 $0x0  }
0x12: {  	s1 =	sld [smem:$0x3F99];
	s0 =	simm.s32 @p0 $0x1  }
0x13: {  	[smem:$0x3FB4] =	sst s0;
	s0 =	simm.s32 @!p1 $0x0  }
0x14: {  	s2 =	sld [smem:$0x3F98];
	s0 =	simm.s32 @p1 $0x1  }
0x15: {  	[smem:$0x3FB5] =	sst s0;
	s0 =	simm.s32 @!p2 $0x0  }
0x16: {  	s3 =	sld [smem:$0x3FDB];
	s0 =	simm.s32 @p2 $0x1  }
0x17: {  	s4 =	simm.s32 $0x1BF5;
	[smem:$0x3FB7] =	sst s0  }
0x18: {  	s0 =	sld [smem:$0x3F9A];
	_ =	swait.ge [sflag:s4], $0x0  }
0x19: {  	s7 =	sld [smem:$0x3F9B]  }
0x1a: {  	s8 =	sadd.s32 $0xFFFFE003, lr  }
0x1b: {  	s9 =	sadd.s32 $0xFFFFFEF7, lr;
	s5 =	simm.s32 $0xFFFFFFFF;
	p2 =	slt.u32 s8, $0xFFFFF086  }
0x1c: {  	p1 =	slt.u32 s9, $0xF7A;
	s5 =	simm.s32 @!p2 $0x0  }
0x1d: {  	s5 =	simm.s32 @p1 $0x1;
	p0 =	seq.s32 s7, s2  }
0x1e: {  	s7 =	smul.u32 @!p0 $0xF7A, s2;
	p2 =	seq.s32 @!p0 s5, $0x0  }
0x1f: {  	s9 =	smul.u32 $0xF7A, s1;
	s8 =	simm.s32 @!p0 $0x1BF5;
	p2 =	por !p2, p0  }
0x20: {  	[sflag:s8] =	ssyncset.s32 @!p0 $0xFFFFF086;
	s6 =	sadd.s32 @!p0 s3, s7;
	s7 =	simm.s32 @!p0 $0x108  }
0x21: {  	s3 =	sadd.s32 s3, s9;
	s6 =	sadd.s32 @!p0 $0x88, s6;
	s7 =	simm.s32 @p2 $0x1082  }
0x22: {  	[simem:s7], [sflag:s8] =	dma.local @!p0 [hbm:s6], $0xF7A  }
0x23: {  	s9 =	sor.u32 $0xD0000000, s2;
	s6 =	simm.s32 $0x108;
	_ =	swait.ge @!p0 [sflag:s8], $0x0  }
0x24: {  	s3 =	sadd.s32 $0x88, s3;
	s6 =	simm.s32 @!p1 $0x1082;
	[sflag:s4] =	ssyncset.s32 $0xFFFFF086  }
0x25: {  	[simem:s6], [sflag:s4] =	dma.local [hbm:s3], $0xF7A  }
0x26: {  	[smem:$0x3F9B] =	sst s1;
	(tag) =	ssettag s2;
	_ =	strace s9  }
0x27: {  	s1 =	sld [smem:$0x3FAB]  }
0x28: {  	s2 =	sld [smem:$0x3FAC]  }
0x29: {  	s4 =	sld [smem:$0x3FAE]  }
0x2a: {  	p0 =	seq.s32 s5, $0x0;
	s5 =	sld [smem:$0x3FAF]  }
0x2b: {  	s6 =	sld [smem:$0x3FB0]  }
0x2c: {  	s7 =	sld [smem:$0x3FB1]  }
0x2d: {  	s3 =	simm.s32 $0x108;
	s8 =	sld [smem:$0x3FB2]  }
0x2e: {  	s3 =	simm.s32 @!p0 $0x1082;
	s9 =	sld [smem:$0x3FB3]  }
0x2f: {  	lr =	sadd.s32 s0, s3;
	s0 =	sld [smem:$0x3FAA]  }
0x30: {  	s3 =	sld [smem:$0x3FAD]  }
0x31: {  	[smem:$0x3FB6] =	sst s10  }
0x32: {  	s10 =	sld [smem:$0x3FB4];
	_ =	sdelay $0x3  }
0x33: {  	p0 =	seq.s32 s10, $0x1;
	s10 =	sld [smem:$0x3FB6];
	_ =	sdelay $0x3  }
0x34: {  	[smem:$0x3FB6] =	sst s10  }
0x35: {  	s10 =	sld [smem:$0x3FB5];
	_ =	sdelay $0x3  }
0x36: {  	p1 =	seq.s32 s10, $0x1;
	s10 =	sld [smem:$0x3FB6];
	_ =	sdelay $0x3  }
0x37: {  	[smem:$0x3FB6] =	sst s10  }
0x38: {  	s10 =	sld [smem:$0x3FB7]  }
0x39: {  	_ = 	snop;
	(pc) =	sbr.ind lr, $3  }
0x3a: {  	_ = 	snop  }
0x3b: {  	_ = 	snop  }
0x3c: {  	p2 =	seq.s32 s10, $0x1;
	s10 =	sld [smem:$0x3FB6]  }
0x3d: {  	_ =	shalt  }
0x3e: {  	_ =	shalt  }
0x3f: {  	_ =	shalt  }
0x40: {  	_ =	shalt  }
0x41: {  	_ =	shalt  }
0x42: {  	_ =	shalt  }
0x43: {  	_ =	shalt  }
0x44: {  	_ =	shalt  }
0x45: {  	_ =	shalt  }
0x46: {  	_ =	shalt  }
0x47: {  	_ =	shalt  }
0x48: {  	_ =	shalt  }
0x49: {  	_ =	shalt  }
0x4a: {  	_ =	shalt  }
0x4b: {  	_ =	shalt  }
0x4c: {  	_ =	shalt  }
0x4d: {  	_ =	shalt  }
0x4e: {  	_ =	shalt  }
0x4f: {  	_ =	shalt  }
0x50: {  	_ =	shalt  }
0x51: {  	_ =	shalt  }
0x52: {  	_ =	shalt  }
0x53: {  	_ =	shalt  }
0x54: {  	_ =	shalt  }
0x55: {  	_ =	shalt  }
0x56: {  	_ =	shalt  }
0x57: {  	_ =	shalt  }
0x58: {  	_ =	shalt  }
0x59: {  	_ =	shalt  }
0x5a: {  	_ =	shalt  }
0x5b: {  	_ =	shalt  }
0x5c: {  	_ =	shalt  }
0x5d: {  	_ =	shalt  }
0x5e: {  	_ =	shalt  }
0x5f: {  	_ =	shalt  }
0x60: {  	_ =	shalt  }
0x61: {  	_ =	shalt  }
0x62: {  	_ =	shalt  }
0x63: {  	_ =	shalt  }
0x64: {  	_ =	shalt  }
0x65: {  	_ =	shalt  }
0x66: {  	_ =	shalt  }
0x67: {  	_ =	shalt  }
0x68: {  	_ =	shalt  }
0x69: {  	_ =	shalt  }
0x6a: {  	_ =	shalt  }
0x6b: {  	_ =	shalt  }
0x6c: {  	_ =	shalt  }
0x6d: {  	_ =	shalt  }
0x6e: {  	_ =	shalt  }
0x6f: {  	_ =	shalt  }
0x70: {  	_ =	shalt  }
0x71: {  	_ =	shalt  }
0x72: {  	_ =	shalt  }
0x73: {  	_ =	shalt  }
0x74: {  	_ =	shalt  }
0x75: {  	_ =	shalt  }
0x76: {  	_ =	shalt  }
0x77: {  	_ =	shalt  }
0x78: {  	_ =	shalt  }
0x79: {  	_ =	shalt  }
0x7a: {  	_ =	shalt  }
0x7b: {  	_ =	shalt  }
0x7c: {  	_ =	shalt  }
0x7d: {  	_ =	shalt  }
0x7e: {  	_ =	shalt  }
0x7f: {  	_ =	shalt  }
0x80: {  	_ =	shalt  }
0x81: {  	_ =	shalt  }
0x82: {  	_ =	shalt  }
0x83: {  	_ =	shalt  }
0x84: {  	_ =	shalt  }
0x85: {  	_ =	shalt  }
0x86: {  	_ =	shalt  }
0x87: {  	_ =	shalt  }
.Lfunc_end0:
.L_simem_size_0:
called_computation.1_lowered:
.L_overlay_start_0:
0x88: {  	s2 =	sld [smem:$0x3FD9]  }
0x89: {  	s3 =	sld [smem:$0x3FFE];
	_ =	sdelay $0x1  }
0x8a: {  	s1 =	srdreg.scid  }
0x8b: {  	s0 =	sand.u32 $0x1, s1  }
0x8c: {  	s16 =	sshll.u32 s0, $0xA;
	s2 =	sadd.s32 s3, s2  }
0x8d: {  	s2 =	sadd.s32 s2, s16  }
0x8e: {  	[smem:$0x3FC2] =	sst s2  }
0x8f: {  	_ = 	snop  }
0x90: {  	(tm) =	ssettm $0x1  }
0x91: {  	s17 =	sld [smem:$0x3FFB];
	_ =	sdelay $0x3  }
0x92: {  	_ =	strace s17  }
0x93: {  	s2 =	sld [smem:$0x3FFC];
	_ =	sdelay $0x3  }
0x94: {  	_ =	strace s2  }
0x95: {  	s2 =	sld [smem:$0x3FFD];
	_ =	sdelay $0x3  }
0x96: {  	_ =	strace s2  }
0x97: {  	_ =	strace $0x8FFFFFFF  }
0x98: {  	s18 =	sld [smem:$0x3FDB];
	_ =	sdelay $0x1  }
0x99: {  	s19 =	simm.s32 $_scs_section_size  }
0x9a: {  	s4 =	simm.s32 $_size__tile_overlayer_lowered;
	s5 =	simm.s32 $_tile_overlayer_lowered  }
0x9b: {  	s22 =	simm.s32 $0x1BFF;
	s21 =	sshll.u32 s5, $0x1;
	s2 =	sadd.s32 s19, s18  }
0x9c: {  	s6 =	simm.s32 $0x0;
	s20 =	sshll.u32 s4, $0x1;
	s4 =	sadd.s32 s21, s2  }
0x9d: {  	[timem:s6], [sflag:s22] =	dma.local [hbm:s4], s20  }
0x9e: {  	_ =	swait.ge [sflag:s22], s20  }
0x9f: {  	s3 =	ssub.s32 $0x0, s20;
	[sflag:s22] =	ssyncset.done $0x0  }
0xa0: {  	[sflag:s22] =	ssyncadd.s32 s3;
	_ =	sdelay $0x1  }
0xa1: {  	s23 =	simm.s32 $0x1B8B  }
0xa2: {  	_ =	swait.ge [sflag:s23], $0x1  }
0xa3: {  	[sflag:s23] =	ssyncset.done $0x0  }
0xa4: {  	s25 =	simm.s32 $0x1B8E;
	s24 =	sld [smem:$0x3FFE];
	[sflag:s23] =	ssyncadd.s32 $0xFFFFFFFF  }
0xa5: {  	s26 =	simm.s32 $execute0_lowered;
	[smem:$0x3FD2] =	sst s25  }
0xa6: {  	s4 =	sshll.u32 s26, $0x1;
	_ =	strace $0x80000049;
	[dreg:$0x1] =	wrdreg $0xFFFFFFFF  }
0xa7: {  	s28 =	simm.s32 $_size_execute0_lowered;
	s2 =	sadd.s32 s2, s4;
	[dreg:$0x0] =	wrdreg $0x0  }
0xa8: {  	s4 =	sshll.u32 s28, $0x1;
	[dreg:$0x2] =	wrdreg s2  }
0xa9: {  	[dreg:$0x3] =	wrdreg s4  }
0xaa: {  	[dreg:$0x4] =	wrdreg $0xC0  }
0xab: {  	_ =	task [dreg:s6], $0x5FFFF  }
0xac: {  	[dreg:$0x1] =	wrdreg $0xFFFFFFFF  }
0xad: {  	[dreg:$0x0] =	wrdreg $0x60  }
0xae: {  	[dreg:$0x2] =	wrdreg s24  }
0xaf: {  	[dreg:$0x3] =	wrdreg $0x82000  }
0xb0: {  	[dreg:$0x4] =	wrdreg $0x9  }
0xb1: {  	_ =	task.clear_ibuf [dreg:s6], $0x5FFFF;
	_ =	strace $0x90000049  }
0xb2: {  	s29 =	simm.s32 $0x9;
	_ =	strace $0x8000004B  }
0xb3: {  	_ =	swait.ge [sflag:s29], $0x1  }
0xb4: {  	[sflag:s29] =	ssyncadd.s32 $0xFFFFFFFF  }
0xb5: {  	_ =	strace $0x9000004B  }
0xb6: {  	_ =	sfence  }
0xb7: {  	s30 =	sld [smem:$0x0];
	_ =	sdelay $0x2  }
0xb8: {  	s31 =	sshll.u32 s1, $0xD;
	s1 =	sshrl.u32 s1, $0x2  }
0xb9: {  	s3 =	sand.u32 $0x4000, s31;
	s1 =	sadd.s32 s1, s30  }
0xba: {  	s0 =	sor.u32 s3, s0;
	s1 =	sshll.u32 s1, $0x11  }
0xbb: {  	s0 =	sor.u32 s1, s0  }
0xbc: {  	s0 =	sadd.s32 $0x8F2B, s0  }
0xbd: {  	[sflag:s0] =	ssyncadd.remote.s32 $0x1  }
0xbe: {  	_ =	sfence.sel $0xFFFF  }
0xbf: {  	[dreg:$0x0] =	wrdreg $0xFFFFFFFF;
	(pc) =	sbr.abs _section_cstart, $3  }
0xc0: {  	[dreg:$0x1] =	wrdreg $0xFFFFFFFF  }
0xc1: {  	_ =	task.clear_ibuf [dreg:s6], $0x2FFFF;
	_ =	strace $0x9FFFFFFF  }
0xc2: {  	(tm) =	ssettm $0x7FFFFFFF  }
0xc3: {  	_ =	shalt  }
tec
execute0_lowered:
.L_overlay_start_1:
0x0: {  	(tag) =	ssettag $0x1  }
0x1: {  	s8 =	rddreg [dreg:$0x0]  }
0x2: {  	s1 =	rddreg [dreg:$0x1]  }
0x3: {  	s0 =	rddreg [dreg:$0x2];
	s2 =	simm.s32 $0x0;
	s6 =	srdreg.scid  }
0x4: {  	s3 =	stileid.u32;
	s18 =	simm.s32 $0x80;
	s19 =	simm.s32 $0x200  }
0x5: {  	s20 =	simm.s32 $0x1;
	s21 =	simm.s32 $0x100;
	s22 =	simm.s32 $0x4200  }
0x6: {  	s23 =	simm.s32 $0x2;
	s24 =	simm.s32 $0x180;
	s25 =	simm.s32 $0x0  }
0x7: {  	[smem:$0x7FF] =	sst s2;
	s4 =	sadd.s32 $0x29A00, s8;
	s9 =	smul.u32 $0x50000, s3  }
0x8: {  	s5 =	sadd.s32 $0x51A00, s8;
	s14 =	sadd.s32 $0x15A00, s8;
	s7 =	smul.u32 $0x2800, s3  }
0x9: {  	s15 =	sand.u32 $0x1, s6;
	s6 =	sadd.s32 $0x79A00, s8;
	s12 =	smul.u32 $0xA000, s3  }
0xa: {  	s8 =	sadd.s32 $0xA1A00, s8;
	s17 =	smul.u32 $0x1400, s3;
	s31 =	sshll.u32 s3, $0x6  }
0xb: {  	_ =	strace $0x8000004A;
	s10 =	ssub.s32 $0x2, s15;
	p0 =	seq.s32 s15, $0x0  }
.Ltmp0:
0xc: {  	s15 =	sor.u32 $0x1C03, s31;
	s11 =	sshrl.u32 s10, $0x1;
	(pc) =	sbr.rel .LBB2_1-.Ltmp0, $4  }
0xd: {  	s9 =	sshrl.u32 s9, $0x2;
	s30 =	sshrl.u32 s12, $0x3;
	s13 =	ssub.s32 s10, s11  }
0xe: {  	s16 =	sadd.s32 s9, s1;
	s9 =	sadd.s32 s5, s7;
	s10 =	sadd.s32 s14, s30  }
0xf: {  	s11 =	sadd.s32 s4, s7;
	s14 =	sadd.s32 s17, s14;
	s17 =	simm.s32 $0x3  }
0x10: {  	s12 =	smax.u32 s13, $0x1;
	s13 =	sadd.s32 $0x13E0, s10;
	s16 =	sshrl.u32 s16, $0x3  }
.LBB2_7:
0x11: {  	[sflag:s17] =	ssyncadd.s32 $0xFFFFC000;
	s28 =	smov.u32 s4;
	s26 =	smov.u32 s6  }
.LBB2_8:
0x12: {  	_ =	swait.ge [sflag:s20], $0x4000  }
0x13: {  	[sflag:s20] =	ssyncset.done $0x0  }
0x14: {  	[sflag:s20] =	ssyncadd.s32 $0xFFFFC000  }
0x15: {  	[tilespmem:s21], [sflag:$0x3] =	stream.linear.gather [hbm4b:s13+s2], $0x100, $0x38;
	[tilespmem:$0x1C200] =	vst v63  }
0x16: {  	_ =	swait.ge [sflag:s17], $0x100  }
0x17: {  	[sflag:s17] =	ssyncset.done $0x0  }
0x18: {  	[sflag:s17] =	ssyncadd.s32 $0xFFFFFF00  }
0x19: {  	[tilespmem:s22], [sflag:$0x2] =	stream.indirect.gather [hbm4b:s28+s18], $0x80, s21, s18, $0xb8;
	[tilespmem:$0x1C200] =	vst v63  }
0x1a: {  	_ = 	snop  }
0x1b: {  	[spmem:s1] =	stream.indirect.scatter.add.f32 [tilespmem:s19], [sflag:$0x3], $0x80, s18, s18, $0xb8;
	[tilespmem:$0x1C200] =	vst v63  }
0x1c: {  	_ =	swait.ge [sflag:s17], $0x4000  }
0x1d: {  	[sflag:s17] =	ssyncset.done $0x0  }
0x1e: {  	[sflag:s17] =	ssyncadd.s32 $0xFFFFC000  }
0x1f: {  	_ =	swait.ge [sflag:s23], $0x4000  }
0x20: {  	[sflag:s23] =	ssyncset.done $0x0  }
0x21: {  	[sflag:s23] =	ssyncadd.s32 $0xFFFFC000  }
0x22: {  	[spmem:s1] =	stream.indirect.scatter.add.f32 [tilespmem:s22], [sflag:$0x3], $0x80, s24, s18, $0xb8;
	[tilespmem:$0x1C200] =	vst v63  }
0x23: {  	_ =	swait.ge [sflag:s17], $0x4000  }
0x24: {  	s25 =	sadd.s32 $0x1, s25;
	[sflag:s17] =	ssyncset.done $0x0  }
0x25: {  	p1 =	sne.s32 s25, s12;
	[sflag:s17] =	ssyncadd.s32 $0xFFFFC000  }
.Ltmp1:
0x26: {  	s26 =	sadd.s32 s26, s7;
	[bflag:$0x0] =	sbarrier.arrive $0xFFFF;
	(pc) =	sbr.rel @!p1 .LBB2_9-.Ltmp1, $4  }
0x27: {  	[hbm:s26], [sflag:s15] =	dma.local [spmem:s16], $0x2800  }
0x28: {  	_ =	swait.ge [sflag:s17], $0x2800  }
0x29: {  	[sflag:s17] =	ssyncset.done $0x0  }
0x2a: {  	[sflag:s17] =	ssyncadd.s32 $0xFFFFD800  }
.LBB2_1:
.Ltmp2:
0x2b: {  	(pc) =	sbr.rel @!p0 .LBB2_2-.Ltmp2, $1  }
0x2c: {  	_ =	sdelay $0x3  }
0x2d: {  	[spmem:s16], [sflag:s15] =	dma.local [hbm:s11], $0x2800  }
0x2e: {  	_ =	swait.ge [sflag:s17], $0x2800  }
0x2f: {  	[sflag:s17] =	ssyncset.done $0x0  }
0x30: {  	[sflag:s17] =	ssyncadd.s32 $0xFFFFD800  }
0x31: {  	[bflag:$0x0] =	sbarrier.arrive $0xFFFF  }
0x32: {  	[tilespmem:s2], [sflag:$0x3] =	stream.linear.gather [hbm4b:s10+s2], $0x100, $0x38;
	[tilespmem:$0x1C200] =	vst v63  }
0x33: {  	_ =	swait.ge [sflag:s17], $0x100  }
0x34: {  	[sflag:s17] =	ssyncset.done $0x0  }
0x35: {  	[sflag:s17] =	ssyncadd.s32 $0xFFFFFF00  }
0x36: {  	[tilespmem:s19], [sflag:$0x1] =	stream.indirect.gather [hbm4b:s4+s18], $0x80, s2, s18, $0xb8;
	[tilespmem:$0x1C200] =	vst v63  }
0x37: {  	_ =	swait.ge [sflag:s20], $0x4000  }
0x38: {  	s26 =	sadd.s32 $0xFFFFEC40, s14;
	[sflag:s20] =	ssyncset.done $0x0  }
0x39: {  	s28 =	sadd.s32 $0x13E0, s26;
	[sflag:s20] =	ssyncadd.s32 $0xFFFFC000  }
0x3a: {  	[tilespmem:s21], [sflag:$0x3] =	stream.linear.gather [hbm4b:s28+s2], $0x100, $0x38;
	[tilespmem:$0x1C200] =	vst v63  }
0x3b: {  	_ =	swait.ge [sflag:s17], $0x100  }
0x3c: {  	[sflag:s17] =	ssyncset.done $0x0  }
0x3d: {  	[sflag:s17] =	ssyncadd.s32 $0xFFFFFF00  }
0x3e: {  	[tilespmem:s22], [sflag:$0x2] =	stream.indirect.gather [hbm4b:s4+s18], $0x80, s21, s18, $0xb8;
	[tilespmem:$0x1C200] =	vst v63  }
0x3f: {  	_ = 	snop  }
0x40: {  	[spmem:s1] =	stream.indirect.scatter.add.f32 [tilespmem:s19], [sflag:$0x3], $0x80, s18, s18, $0xb8;
	[tilespmem:$0x1C200] =	vst v63  }
0x41: {  	_ =	swait.ge [sflag:s17], $0x4000  }
0x42: {  	[sflag:s17] =	ssyncset.done $0x0  }
0x43: {  	s26 =	sadd.s32 $0x1400, s26;
	[sflag:s17] =	ssyncadd.s32 $0xFFFFC000  }
0x44: {  	[tilespmem:s2], [sflag:$0x3] =	stream.linear.gather [hbm4b:s26+s2], $0x100, $0x38;
	[tilespmem:$0x1C200] =	vst v63  }
0x45: {  	_ =	swait.ge [sflag:s17], $0x100  }
0x46: {  	[sflag:s17] =	ssyncset.done $0x0  }
0x47: {  	[sflag:s17] =	ssyncadd.s32 $0xFFFFFF00  }
0x48: {  	[tilespmem:s19], [sflag:$0x1] =	stream.indirect.gather [hbm4b:s4+s18], $0x80, s2, s18, $0xb8;
	[tilespmem:$0x1C200] =	vst v63  }
0x49: {  	_ =	swait.ge [sflag:s23], $0x4000  }
0x4a: {  	[sflag:s23] =	ssyncset.done $0x0  }
0x4b: {  	[sflag:s23] =	ssyncadd.s32 $0xFFFFC000  }
0x4c: {  	[spmem:s1] =	stream.indirect.scatter.add.f32 [tilespmem:s22], [sflag:$0x3], $0x80, s24, s18, $0xb8;
	[tilespmem:$0x1C200] =	vst v63  }
0x4d: {  	_ =	swait.ge [sflag:s17], $0x4000  }
0x4e: {  	s26 =	simm.s32 $0xFFFFEC80;
	[sflag:s17] =	ssyncset.done $0x0  }
.LBB2_6:
0x4f: {  	p1 =	seq.s32 s26, $0xFFFFFFC0  }
0x50: {  	[sflag:s17] =	ssyncadd.s32 $0xFFFFC000;
	s28 =	smov.u32 s26;
	s26 =	sadd.s32 $0x40, s26  }
0x51: {  	_ =	swait.ge [sflag:s20], $0x4000  }
0x52: {  	s28 =	sadd.s32 s28, s14;
	[sflag:s20] =	ssyncset.done $0x0  }
0x53: {  	s29 =	sadd.s32 $0x13E0, s28;
	[sflag:s20] =	ssyncadd.s32 $0xFFFFC000  }
0x54: {  	[tilespmem:s21], [sflag:$0x3] =	stream.linear.gather [hbm4b:s29+s2], $0x100, $0x38;
	[tilespmem:$0x1C200] =	vst v63  }
0x55: {  	_ =	swait.ge [sflag:s17], $0x100  }
0x56: {  	[sflag:s17] =	ssyncset.done $0x0  }
0x57: {  	[sflag:s17] =	ssyncadd.s32 $0xFFFFFF00  }
0x58: {  	[tilespmem:s22], [sflag:$0x2] =	stream.indirect.gather [hbm4b:s4+s18], $0x80, s21, s18, $0xb8;
	[tilespmem:$0x1C200] =	vst v63  }
0x59: {  	_ = 	snop  }
0x5a: {  	[spmem:s1] =	stream.indirect.scatter.add.f32 [tilespmem:s19], [sflag:$0x3], $0x80, s18, s18, $0xb8;
	[tilespmem:$0x1C200] =	vst v63  }
0x5b: {  	_ =	swait.ge [sflag:s17], $0x4000  }
0x5c: {  	[sflag:s17] =	ssyncset.done $0x0  }
0x5d: {  	s28 =	sadd.s32 $0x1400, s28;
	[sflag:s17] =	ssyncadd.s32 $0xFFFFC000  }
0x5e: {  	[tilespmem:s2], [sflag:$0x3] =	stream.linear.gather [hbm4b:s28+s2], $0x100, $0x38;
	[tilespmem:$0x1C200] =	vst v63  }
0x5f: {  	_ =	swait.ge [sflag:s17], $0x100  }
0x60: {  	[sflag:s17] =	ssyncset.done $0x0  }
0x61: {  	[sflag:s17] =	ssyncadd.s32 $0xFFFFFF00  }
0x62: {  	[tilespmem:s19], [sflag:$0x1] =	stream.indirect.gather [hbm4b:s4+s18], $0x80, s2, s18, $0xb8;
	[tilespmem:$0x1C200] =	vst v63  }
0x63: {  	_ =	swait.ge [sflag:s23], $0x4000  }
.Ltmp3:
0x64: {  	[sflag:s23] =	ssyncset.done $0x0;
	(pc) =	sbr.rel @!p1 .LBB2_6-.Ltmp3, $4  }
0x65: {  	[sflag:s23] =	ssyncadd.s32 $0xFFFFC000  }
0x66: {  	[spmem:s1] =	stream.indirect.scatter.add.f32 [tilespmem:s22], [sflag:$0x3], $0x80, s24, s18, $0xb8;
	[tilespmem:$0x1C200] =	vst v63  }
0x67: {  	_ =	swait.ge [sflag:s17], $0x4000  }
0x68: {  	[sflag:s17] =	ssyncset.done $0x0  }
.Ltmp4:
0x69: {  	_ = 	snop;
	(pc) =	sbr.rel .LBB2_7-.Ltmp4, $1  }
0x6a: {  	_ =	sdelay $0x3  }
.LBB2_2:
0x6b: {  	[spmem:s16], [sflag:s15] =	dma.local [hbm:s9], $0x2800  }
0x6c: {  	_ =	swait.ge [sflag:s17], $0x2800  }
0x6d: {  	[sflag:s17] =	ssyncset.done $0x0  }
0x6e: {  	[sflag:s17] =	ssyncadd.s32 $0xFFFFD800  }
0x6f: {  	[bflag:$0x0] =	sbarrier.arrive $0xFFFF  }
0x70: {  	[tilespmem:s2], [sflag:$0x3] =	stream.linear.gather [hbm4b:s10+s2], $0x100, $0x38;
	[tilespmem:$0x1C200] =	vst v63  }
0x71: {  	_ =	swait.ge [sflag:s17], $0x100  }
0x72: {  	[sflag:s17] =	ssyncset.done $0x0  }
0x73: {  	[sflag:s17] =	ssyncadd.s32 $0xFFFFFF00  }
0x74: {  	[tilespmem:s19], [sflag:$0x1] =	stream.indirect.gather [hbm4b:s5+s18], $0x80, s2, s18, $0xb8;
	[tilespmem:$0x1C200] =	vst v63  }
0x75: {  	_ =	swait.ge [sflag:s20], $0x4000  }
0x76: {  	s26 =	sadd.s32 $0xFFFFEC40, s14;
	[sflag:s20] =	ssyncset.done $0x0  }
0x77: {  	s28 =	sadd.s32 $0x13E0, s26;
	[sflag:s20] =	ssyncadd.s32 $0xFFFFC000  }
0x78: {  	[tilespmem:s21], [sflag:$0x3] =	stream.linear.gather [hbm4b:s28+s2], $0x100, $0x38;
	[tilespmem:$0x1C200] =	vst v63  }
0x79: {  	_ =	swait.ge [sflag:s17], $0x100  }
0x7a: {  	[sflag:s17] =	ssyncset.done $0x0  }
0x7b: {  	[sflag:s17] =	ssyncadd.s32 $0xFFFFFF00  }
0x7c: {  	[tilespmem:s22], [sflag:$0x2] =	stream.indirect.gather [hbm4b:s5+s18], $0x80, s21, s18, $0xb8;
	[tilespmem:$0x1C200] =	vst v63  }
0x7d: {  	_ = 	snop  }
0x7e: {  	[spmem:s1] =	stream.indirect.scatter.add.f32 [tilespmem:s19], [sflag:$0x3], $0x80, s18, s18, $0xb8;
	[tilespmem:$0x1C200] =	vst v63  }
0x7f: {  	_ =	swait.ge [sflag:s17], $0x4000  }
0x80: {  	[sflag:s17] =	ssyncset.done $0x0  }
0x81: {  	s26 =	sadd.s32 $0x1400, s26;
	[sflag:s17] =	ssyncadd.s32 $0xFFFFC000  }
0x82: {  	[tilespmem:s2], [sflag:$0x3] =	stream.linear.gather [hbm4b:s26+s2], $0x100, $0x38;
	[tilespmem:$0x1C200] =	vst v63  }
0x83: {  	_ =	swait.ge [sflag:s17], $0x100  }
0x84: {  	[sflag:s17] =	ssyncset.done $0x0  }
0x85: {  	[sflag:s17] =	ssyncadd.s32 $0xFFFFFF00  }
0x86: {  	[tilespmem:s19], [sflag:$0x1] =	stream.indirect.gather [hbm4b:s5+s18], $0x80, s2, s18, $0xb8;
	[tilespmem:$0x1C200] =	vst v63  }
0x87: {  	_ =	swait.ge [sflag:s23], $0x4000  }
0x88: {  	[sflag:s23] =	ssyncset.done $0x0  }
0x89: {  	[sflag:s23] =	ssyncadd.s32 $0xFFFFC000  }
0x8a: {  	[spmem:s1] =	stream.indirect.scatter.add.f32 [tilespmem:s22], [sflag:$0x3], $0x80, s24, s18, $0xb8;
	[tilespmem:$0x1C200] =	vst v63  }
0x8b: {  	_ =	swait.ge [sflag:s17], $0x4000  }
0x8c: {  	s26 =	simm.s32 $0xFFFFEC80;
	[sflag:s17] =	ssyncset.done $0x0  }
.LBB2_3:
0x8d: {  	p1 =	sne.s32 s26, $0xFFFFFFC0  }
0x8e: {  	[sflag:s17] =	ssyncadd.s32 $0xFFFFC000;
	s28 =	smov.u32 s26;
	s26 =	sadd.s32 $0x40, s26  }
0x8f: {  	_ =	swait.ge [sflag:s20], $0x4000  }
0x90: {  	s28 =	sadd.s32 s28, s14;
	[sflag:s20] =	ssyncset.done $0x0  }
0x91: {  	s29 =	sadd.s32 $0x13E0, s28;
	[sflag:s20] =	ssyncadd.s32 $0xFFFFC000  }
0x92: {  	[tilespmem:s21], [sflag:$0x3] =	stream.linear.gather [hbm4b:s29+s2], $0x100, $0x38;
	[tilespmem:$0x1C200] =	vst v63  }
0x93: {  	_ =	swait.ge [sflag:s17], $0x100  }
0x94: {  	[sflag:s17] =	ssyncset.done $0x0  }
0x95: {  	[sflag:s17] =	ssyncadd.s32 $0xFFFFFF00  }
0x96: {  	[tilespmem:s22], [sflag:$0x2] =	stream.indirect.gather [hbm4b:s5+s18], $0x80, s21, s18, $0xb8;
	[tilespmem:$0x1C200] =	vst v63  }
0x97: {  	_ = 	snop  }
0x98: {  	[spmem:s1] =	stream.indirect.scatter.add.f32 [tilespmem:s19], [sflag:$0x3], $0x80, s18, s18, $0xb8;
	[tilespmem:$0x1C200] =	vst v63  }
0x99: {  	_ =	swait.ge [sflag:s17], $0x4000  }
0x9a: {  	[sflag:s17] =	ssyncset.done $0x0  }
0x9b: {  	s28 =	sadd.s32 $0x1400, s28;
	[sflag:s17] =	ssyncadd.s32 $0xFFFFC000  }
0x9c: {  	[tilespmem:s2], [sflag:$0x3] =	stream.linear.gather [hbm4b:s28+s2], $0x100, $0x38;
	[tilespmem:$0x1C200] =	vst v63  }
0x9d: {  	_ =	swait.ge [sflag:s17], $0x100  }
0x9e: {  	[sflag:s17] =	ssyncset.done $0x0  }
0x9f: {  	[sflag:s17] =	ssyncadd.s32 $0xFFFFFF00  }
0xa0: {  	[tilespmem:s19], [sflag:$0x1] =	stream.indirect.gather [hbm4b:s5+s18], $0x80, s2, s18, $0xb8;
	[tilespmem:$0x1C200] =	vst v63  }
0xa1: {  	_ =	swait.ge [sflag:s23], $0x4000  }
.Ltmp5:
0xa2: {  	[sflag:s23] =	ssyncset.done $0x0;
	(pc) =	sbr.rel @p1 .LBB2_3-.Ltmp5, $4  }
0xa3: {  	[sflag:s23] =	ssyncadd.s32 $0xFFFFC000  }
0xa4: {  	[spmem:s1] =	stream.indirect.scatter.add.f32 [tilespmem:s22], [sflag:$0x3], $0x80, s24, s18, $0xb8;
	[tilespmem:$0x1C200] =	vst v63  }
0xa5: {  	_ =	swait.ge [sflag:s17], $0x4000  }
0xa6: {  	[sflag:s17] =	ssyncset.done $0x0  }
.Ltmp6:
0xa7: {  	(pc) =	sbr.rel .LBB2_8-.Ltmp6, $2  }
0xa8: {  	_ =	sdelay $0x2  }
0xa9: {  	[sflag:s17] =	ssyncadd.s32 $0xFFFFC000;
	s28 =	smov.u32 s5;
	s26 =	smov.u32 s8  }
.LBB2_9:
0xaa: {  	_ =	sfence.sel $0x180000  }
0xab: {  	[bflag:$0x0] =	sbarrier.arrive $0xFFFF  }
0xac: {  	p0 =	sne.s32 s3, $0x0;
	_ =	strace $0x9000004A  }
0xad: {  	s0 =	sadd.s32 @!p0 $0x100000, s0;
	[bflag:$0x2] =	sbarrier.arrive $0xFFFF  }
0xae: {  	[sflag:s0] =	ssyncadd.tile.s32 @!p0 $0x1;
	_ =	shalt  }
.Lfunc_end2:
_tile_overlayer_lowered:
.L_overlay_start_2:
0xaf: {  	(tag) =	ssettag $0x2  }
0xb0: {  	s0 =	rddreg [dreg:$0x0];
	s2 =	stileid.u32  }
0xb1: {  	s1 =	rddreg [dreg:$0x1];
	p0 =	sne.s32 s2, $0x0  }
0xb2: {  	s3 =	rddreg [dreg:$0x2];
	[bflag:$0x3] =	sbarrier.arrive $0xFFFF;
	s2 =	simm.s32 @!p0 $0x1C03  }
0xb3: {  	[timem:s3], [sflag:s2] =	dma.local @!p0 [hbm:s0], s1  }
0xb4: {  	s0 =	simm.s32 @!p0 $0x3  }
0xb5: {  	_ =	swait.ge @!p0 [sflag:s0], s1  }
0xb6: {  	s1 =	ssub.s32 @!p0 $0x0, s1;
	[sflag:s0] =	ssyncset.done @!p0 $0x0  }
0xb7: {  	[sflag:s0] =	ssyncadd.s32 @!p0 s1  }
0xb8: {  	[bflag:$0x3] =	sbarrier.arrive $0xFFFF  }
0xb9: {  	_ =	shalt  }

// kernel: kernel.13.cloned.1.call-start
scs
__scs_entry_jumppad:
0x0: {  	(pc) =	sbr.rel $0x88, $3  }
0x1: {  	(tag) =	ssettag $0x0;
	lr =	simm.s32 $0x1  }
0x2: {  	[smem:$0x3F9B] =	sst lr;
	_ =	strace $0xD0000000  }
0x3: {  	_ = 	snop  }
0x4: {  	_ = 	snop  }
0x5: {  	_ = 	snop  }
0x6: {  	_ = 	snop  }
0x7: {  	_ = 	snop  }
__scs_overlays_trampoline_lowered:
0x8: {  	[smem:$0x3FAA] =	sst s0  }
0x9: {  	[smem:$0x3FAB] =	sst s1  }
0xa: {  	[smem:$0x3FAC] =	sst s2  }
0xb: {  	[smem:$0x3FAD] =	sst s3  }
0xc: {  	[smem:$0x3FAE] =	sst s4  }
0xd: {  	[smem:$0x3FAF] =	sst s5  }
0xe: {  	[smem:$0x3FB0] =	sst s6  }
0xf: {  	[smem:$0x3FB1] =	sst s7  }
0x10: {  	[smem:$0x3FB2] =	sst s8  }
0x11: {  	[smem:$0x3FB3] =	sst s9;
	s0 =	simm.s32 @!p0 $0x0  }
0x12: {  	s1 =	sld [smem:$0x3F99];
	s0 =	simm.s32 @p0 $0x1  }
0x13: {  	[smem:$0x3FB4] =	sst s0;
	s0 =	simm.s32 @!p1 $0x0  }
0x14: {  	s2 =	sld [smem:$0x3F98];
	s0 =	simm.s32 @p1 $0x1  }
0x15: {  	[smem:$0x3FB5] =	sst s0;
	s0 =	simm.s32 @!p2 $0x0  }
0x16: {  	s3 =	sld [smem:$0x3FDB];
	s0 =	simm.s32 @p2 $0x1  }
0x17: {  	s4 =	simm.s32 $0x1BF5;
	[smem:$0x3FB7] =	sst s0  }
0x18: {  	s0 =	sld [smem:$0x3F9A];
	_ =	swait.ge [sflag:s4], $0x0  }
0x19: {  	s7 =	sld [smem:$0x3F9B]  }
0x1a: {  	s8 =	sadd.s32 $0xFFFFE003, lr  }
0x1b: {  	s9 =	sadd.s32 $0xFFFFFEF7, lr;
	s5 =	simm.s32 $0xFFFFFFFF;
	p2 =	slt.u32 s8, $0xFFFFF086  }
0x1c: {  	p1 =	slt.u32 s9, $0xF7A;
	s5 =	simm.s32 @!p2 $0x0  }
0x1d: {  	s5 =	simm.s32 @p1 $0x1;
	p0 =	seq.s32 s7, s2  }
0x1e: {  	s7 =	smul.u32 @!p0 $0xF7A, s2;
	p2 =	seq.s32 @!p0 s5, $0x0  }
0x1f: {  	s9 =	smul.u32 $0xF7A, s1;
	s8 =	simm.s32 @!p0 $0x1BF5;
	p2 =	por !p2, p0  }
0x20: {  	[sflag:s8] =	ssyncset.s32 @!p0 $0xFFFFF086;
	s6 =	sadd.s32 @!p0 s3, s7;
	s7 =	simm.s32 @!p0 $0x108  }
0x21: {  	s3 =	sadd.s32 s3, s9;
	s6 =	sadd.s32 @!p0 $0x88, s6;
	s7 =	simm.s32 @p2 $0x1082  }
0x22: {  	[simem:s7], [sflag:s8] =	dma.local @!p0 [hbm:s6], $0xF7A  }
0x23: {  	s9 =	sor.u32 $0xD0000000, s2;
	s6 =	simm.s32 $0x108;
	_ =	swait.ge @!p0 [sflag:s8], $0x0  }
0x24: {  	s3 =	sadd.s32 $0x88, s3;
	s6 =	simm.s32 @!p1 $0x1082;
	[sflag:s4] =	ssyncset.s32 $0xFFFFF086  }
0x25: {  	[simem:s6], [sflag:s4] =	dma.local [hbm:s3], $0xF7A  }
0x26: {  	[smem:$0x3F9B] =	sst s1;
	(tag) =	ssettag s2;
	_ =	strace s9  }
0x27: {  	s1 =	sld [smem:$0x3FAB]  }
0x28: {  	s2 =	sld [smem:$0x3FAC]  }
0x29: {  	s4 =	sld [smem:$0x3FAE]  }
0x2a: {  	p0 =	seq.s32 s5, $0x0;
	s5 =	sld [smem:$0x3FAF]  }
0x2b: {  	s6 =	sld [smem:$0x3FB0]  }
0x2c: {  	s7 =	sld [smem:$0x3FB1]  }
0x2d: {  	s3 =	simm.s32 $0x108;
	s8 =	sld [smem:$0x3FB2]  }
0x2e: {  	s3 =	simm.s32 @!p0 $0x1082;
	s9 =	sld [smem:$0x3FB3]  }
0x2f: {  	lr =	sadd.s32 s0, s3;
	s0 =	sld [smem:$0x3FAA]  }
0x30: {  	s3 =	sld [smem:$0x3FAD]  }
0x31: {  	[smem:$0x3FB6] =	sst s10  }
0x32: {  	s10 =	sld [smem:$0x3FB4];
	_ =	sdelay $0x3  }
0x33: {  	p0 =	seq.s32 s10, $0x1;
	s10 =	sld [smem:$0x3FB6];
	_ =	sdelay $0x3  }
0x34: {  	[smem:$0x3FB6] =	sst s10  }
0x35: {  	s10 =	sld [smem:$0x3FB5];
	_ =	sdelay $0x3  }
0x36: {  	p1 =	seq.s32 s10, $0x1;
	s10 =	sld [smem:$0x3FB6];
	_ =	sdelay $0x3  }
0x37: {  	[smem:$0x3FB6] =	sst s10  }
0x38: {  	s10 =	sld [smem:$0x3FB7]  }
0x39: {  	_ = 	snop;
	(pc) =	sbr.ind lr, $3  }
0x3a: {  	_ = 	snop  }
0x3b: {  	_ = 	snop  }
0x3c: {  	p2 =	seq.s32 s10, $0x1;
	s10 =	sld [smem:$0x3FB6]  }
0x3d: {  	_ =	shalt  }
0x3e: {  	_ =	shalt  }
0x3f: {  	_ =	shalt  }
0x40: {  	_ =	shalt  }
0x41: {  	_ =	shalt  }
0x42: {  	_ =	shalt  }
0x43: {  	_ =	shalt  }
0x44: {  	_ =	shalt  }
0x45: {  	_ =	shalt  }
0x46: {  	_ =	shalt  }
0x47: {  	_ =	shalt  }
0x48: {  	_ =	shalt  }
0x49: {  	_ =	shalt  }
0x4a: {  	_ =	shalt  }
0x4b: {  	_ =	shalt  }
0x4c: {  	_ =	shalt  }
0x4d: {  	_ =	shalt  }
0x4e: {  	_ =	shalt  }
0x4f: {  	_ =	shalt  }
0x50: {  	_ =	shalt  }
0x51: {  	_ =	shalt  }
0x52: {  	_ =	shalt  }
0x53: {  	_ =	shalt  }
0x54: {  	_ =	shalt  }
0x55: {  	_ =	shalt  }
0x56: {  	_ =	shalt  }
0x57: {  	_ =	shalt  }
0x58: {  	_ =	shalt  }
0x59: {  	_ =	shalt  }
0x5a: {  	_ =	shalt  }
0x5b: {  	_ =	shalt  }
0x5c: {  	_ =	shalt  }
0x5d: {  	_ =	shalt  }
0x5e: {  	_ =	shalt  }
0x5f: {  	_ =	shalt  }
0x60: {  	_ =	shalt  }
0x61: {  	_ =	shalt  }
0x62: {  	_ =	shalt  }
0x63: {  	_ =	shalt  }
0x64: {  	_ =	shalt  }
0x65: {  	_ =	shalt  }
0x66: {  	_ =	shalt  }
0x67: {  	_ =	shalt  }
0x68: {  	_ =	shalt  }
0x69: {  	_ =	shalt  }
0x6a: {  	_ =	shalt  }
0x6b: {  	_ =	shalt  }
0x6c: {  	_ =	shalt  }
0x6d: {  	_ =	shalt  }
0x6e: {  	_ =	shalt  }
0x6f: {  	_ =	shalt  }
0x70: {  	_ =	shalt  }
0x71: {  	_ =	shalt  }
0x72: {  	_ =	shalt  }
0x73: {  	_ =	shalt  }
0x74: {  	_ =	shalt  }
0x75: {  	_ =	shalt  }
0x76: {  	_ =	shalt  }
0x77: {  	_ =	shalt  }
0x78: {  	_ =	shalt  }
0x79: {  	_ =	shalt  }
0x7a: {  	_ =	shalt  }
0x7b: {  	_ =	shalt  }
0x7c: {  	_ =	shalt  }
0x7d: {  	_ =	shalt  }
0x7e: {  	_ =	shalt  }
0x7f: {  	_ =	shalt  }
0x80: {  	_ =	shalt  }
0x81: {  	_ =	shalt  }
0x82: {  	_ =	shalt  }
0x83: {  	_ =	shalt  }
0x84: {  	_ =	shalt  }
0x85: {  	_ =	shalt  }
0x86: {  	_ =	shalt  }
0x87: {  	_ =	shalt  }
.Lfunc_end0:
.L_simem_size_0:
called_computation.2_lowered:
.L_overlay_start_0:
0x88: {  	s2 =	sld [smem:$0x3FD9]  }
0x89: {  	s3 =	sld [smem:$0x3FFE];
	_ =	sdelay $0x1  }
0x8a: {  	s1 =	srdreg.scid  }
0x8b: {  	s0 =	sand.u32 $0x1, s1  }
0x8c: {  	s16 =	sshll.u32 s0, $0xA;
	s2 =	sadd.s32 s3, s2  }
0x8d: {  	s2 =	sadd.s32 s2, s16  }
0x8e: {  	[smem:$0x3FC2] =	sst s2  }
0x8f: {  	_ = 	snop  }
0x90: {  	(tm) =	ssettm $0x1  }
0x91: {  	s17 =	sld [smem:$0x3FFB];
	_ =	sdelay $0x3  }
0x92: {  	_ =	strace s17  }
0x93: {  	s2 =	sld [smem:$0x3FFC];
	_ =	sdelay $0x3  }
0x94: {  	_ =	strace s2  }
0x95: {  	s2 =	sld [smem:$0x3FFD];
	_ =	sdelay $0x3  }
0x96: {  	_ =	strace s2  }
0x97: {  	_ =	strace $0x8FFFFFFF  }
0x98: {  	s18 =	sld [smem:$0x3FDB];
	_ =	sdelay $0x1  }
0x99: {  	s19 =	simm.s32 $_scs_section_size  }
0x9a: {  	s4 =	simm.s32 $_size__tile_overlayer_lowered;
	s5 =	simm.s32 $_tile_overlayer_lowered  }
0x9b: {  	s22 =	simm.s32 $0x1BFF;
	s21 =	sshll.u32 s5, $0x1;
	s2 =	sadd.s32 s19, s18  }
0x9c: {  	s6 =	simm.s32 $0x0;
	s20 =	sshll.u32 s4, $0x1;
	s4 =	sadd.s32 s21, s2  }
0x9d: {  	[timem:s6], [sflag:s22] =	dma.local [hbm:s4], s20  }
0x9e: {  	_ =	swait.ge [sflag:s22], s20  }
0x9f: {  	s3 =	ssub.s32 $0x0, s20;
	[sflag:s22] =	ssyncset.done $0x0  }
0xa0: {  	[sflag:s22] =	ssyncadd.s32 s3;
	_ =	sdelay $0x1  }
0xa1: {  	s23 =	simm.s32 $0x1B8B  }
0xa2: {  	_ =	swait.ge [sflag:s23], $0x1  }
0xa3: {  	[sflag:s23] =	ssyncset.done $0x0  }
0xa4: {  	s25 =	simm.s32 $0x1B8E;
	s24 =	sld [smem:$0x3FFE];
	[sflag:s23] =	ssyncadd.s32 $0xFFFFFFFF  }
0xa5: {  	s26 =	simm.s32 $execute0_lowered;
	[smem:$0x3FD2] =	sst s25  }
0xa6: {  	s4 =	sshll.u32 s26, $0x1;
	_ =	strace $0x8000004C;
	[dreg:$0x1] =	wrdreg $0xFFFFFFFF  }
0xa7: {  	s28 =	simm.s32 $_size_execute0_lowered;
	s2 =	sadd.s32 s2, s4;
	[dreg:$0x0] =	wrdreg $0x0  }
0xa8: {  	s4 =	sshll.u32 s28, $0x1;
	[dreg:$0x2] =	wrdreg s2  }
0xa9: {  	[dreg:$0x3] =	wrdreg s4  }
0xaa: {  	[dreg:$0x4] =	wrdreg $0xC0  }
0xab: {  	_ =	task [dreg:s6], $0x5FFFF  }
0xac: {  	[dreg:$0x1] =	wrdreg $0xFFFFFFFF  }
0xad: {  	[dreg:$0x0] =	wrdreg $0x60  }
0xae: {  	[dreg:$0x2] =	wrdreg s24  }
0xaf: {  	[dreg:$0x3] =	wrdreg $0xF0000  }
0xb0: {  	[dreg:$0x4] =	wrdreg $0x9  }
0xb1: {  	_ =	task.clear_ibuf [dreg:s6], $0x5FFFF;
	_ =	strace $0x9000004C  }
0xb2: {  	s29 =	simm.s32 $0x9;
	_ =	strace $0x8000004E  }
0xb3: {  	_ =	swait.ge [sflag:s29], $0x1  }
0xb4: {  	[sflag:s29] =	ssyncadd.s32 $0xFFFFFFFF  }
0xb5: {  	_ =	strace $0x9000004E  }
0xb6: {  	_ =	sfence  }
0xb7: {  	s30 =	sld [smem:$0x0];
	_ =	sdelay $0x2  }
0xb8: {  	s31 =	sshll.u32 s1, $0xD;
	s1 =	sshrl.u32 s1, $0x2  }
0xb9: {  	s3 =	sand.u32 $0x4000, s31;
	s1 =	sadd.s32 s1, s30  }
0xba: {  	s0 =	sor.u32 s3, s0;
	s1 =	sshll.u32 s1, $0x11  }
0xbb: {  	s0 =	sor.u32 s1, s0  }
0xbc: {  	s0 =	sadd.s32 $0x8F2B, s0  }
0xbd: {  	[sflag:s0] =	ssyncadd.remote.s32 $0x1  }
0xbe: {  	_ =	sfence.sel $0xFFFF  }
0xbf: {  	[dreg:$0x0] =	wrdreg $0xFFFFFFFF;
	(pc) =	sbr.abs _section_cstart, $3  }
0xc0: {  	[dreg:$0x1] =	wrdreg $0xFFFFFFFF  }
0xc1: {  	_ =	task.clear_ibuf [dreg:s6], $0x2FFFF;
	_ =	strace $0x9FFFFFFF  }
0xc2: {  	(tm) =	ssettm $0x7FFFFFFF  }
0xc3: {  	_ =	shalt  }
tec
execute0_lowered:
.L_overlay_start_1:
0x0: {  	(tag) =	ssettag $0x1  }
0x1: {  	s5 =	rddreg [dreg:$0x0]  }
0x2: {  	s2 =	rddreg [dreg:$0x1]  }
0x3: {  	s0 =	rddreg [dreg:$0x2];
	s1 =	stileid.u32  }
0x4: {  	s3 =	simm.s32 $0x0;
	s4 =	srdreg.scid;
	s15 =	simm.s32 $0xF280  }
0x5: {  	s16 =	simm.s32 $0x80;
	s17 =	simm.s32 $0x1;
	s18 =	simm.s32 $0xF500  }
0x6: {  	s19 =	simm.s32 $0xF780;
	s20 =	simm.s32 $0x0;
	s7 =	smul.u32 $0xA00, s1  }
0x7: {  	[smem:$0x7FF] =	sst s3;
	s8 =	smul.u32 $0x280, s1;
	s13 =	sand.u32 $0x1, s4  }
0x8: {  	s4 =	sadd.s32 $0x15A00, s5;
	_ =	strace $0x8000004D;
	s6 =	ssub.s32 $0x2, s13  }
0x9: {  	p0 =	sne.s32 s13, $0x0;
	s13 =	simm.s32 $0x2;
	s9 =	sadd.s32 s7, s5  }
.Ltmp0:
0xa: {  	s10 =	sshrl.u32 s8, $0x3;
	s11 =	sshrl.u32 s6, $0x1;
	(pc) =	sbr.rel .LBB2_1-.Ltmp0, $4  }
0xb: {  	s7 =	sshrl.u32 s7, $0x2;
	s8 =	sadd.s32 s8, s2;
	s12 =	sadd.s32 s10, s5  }
0xc: {  	s14 =	ssub.s32 s6, s11;
	s5 =	sadd.s32 $0xBA00, s9;
	s6 =	sadd.s32 $0x1400, s9  }
0xd: {  	s7 =	sadd.s32 s7, s2;
	s9 =	sadd.s32 s4, s10;
	s10 =	sadd.s32 $0xB400, s12  }
0xe: {  	v0 =	vimm.f32 $0.0e+00;
	s11 =	sadd.s32 $0x16000, s12;
	s12 =	smax.u32 s14, $0x1;
	s14 =	simm.s32 $0x5000  }
.LBB2_15:
0xf: {  	[bflag:$0x0] =	sbarrier.arrive $0xFFFF  }
0x10: {  	[bflag:$0x0] =	sbarrier.arrive $0xFFFF  }
.LBB2_13:
0x11: {  	s20 =	sadd.s32 $0x1, s20  }
0x12: {  	p1 =	sne.s32 s20, s12  }
.Ltmp1:
0x13: {  	_ = 	snop;
	(pc) =	sbr.rel @!p1 .LBB2_14-.Ltmp1, $1  }
0x14: {  	_ =	sdelay $0x3  }
.LBB2_1:
.Ltmp2:
0x15: {  	(pc) =	sbr.rel @p0 .LBB2_15-.Ltmp2, $1  }
0x16: {  	_ =	sdelay $0x3  }
0x17: {  	s21 =	simm.s32 $0x0  }
0x18: {  	[tilespmem:s21], [sflag:$0x2] =	stream.linear.gather [hbm4b:s5+s21], $0x5000, $0x38;
	[tilespmem:$0xFA00] =	vst v63  }
0x19: {  	_ =	swait.ge [sflag:s13], $0x5000  }
0x1a: {  	[sflag:s13] =	ssyncset.done $0x0  }
0x1b: {  	[sflag:s13] =	ssyncadd.s32 $0xFFFFB000  }
0x1c: {  	[tilespmem:s14], [sflag:$0x2] =	stream.linear.gather [hbm4b:s6+s21], $0x5000, $0x38;
	[tilespmem:$0xFA00] =	vst v63  }
0x1d: {  	_ =	swait.ge [sflag:s13], $0x5000  }
0x1e: {  	[sflag:s13] =	ssyncset.done $0x0  }
0x1f: {  	[sflag:s13] =	ssyncadd.s32 $0xFFFFB000  }
0x20: {  	[tilespmem:$0xF280] =	vst v0  }
0x21: {  	[tilespmem:$0xF290] =	vst v0  }
0x22: {  	[tilespmem:$0xF2A0] =	vst v0  }
0x23: {  	[tilespmem:$0xF2B0] =	vst v0  }
0x24: {  	[tilespmem:$0xF2C0] =	vst v0  }
0x25: {  	[tilespmem:$0xF2D0] =	vst v0  }
0x26: {  	[tilespmem:$0xF2E0] =	vst v0  }
0x27: {  	[tilespmem:$0xF2F0] =	vst v0  }
0x28: {  	[tilespmem:$0xF300] =	vst v0  }
0x29: {  	[tilespmem:$0xF310] =	vst v0  }
0x2a: {  	[tilespmem:$0xF320] =	vst v0  }
0x2b: {  	[tilespmem:$0xF330] =	vst v0  }
0x2c: {  	[tilespmem:$0xF340] =	vst v0  }
0x2d: {  	[tilespmem:$0xF350] =	vst v0  }
0x2e: {  	[tilespmem:$0xF360] =	vst v0  }
0x2f: {  	[tilespmem:$0xF370] =	vst v0  }
0x30: {  	[tilespmem:$0xF380] =	vst v0  }
0x31: {  	[tilespmem:$0xF390] =	vst v0  }
0x32: {  	[tilespmem:$0xF3A0] =	vst v0  }
0x33: {  	[tilespmem:$0xF3B0] =	vst v0  }
0x34: {  	[tilespmem:$0xF3C0] =	vst v0  }
0x35: {  	[tilespmem:$0xF3D0] =	vst v0  }
0x36: {  	[tilespmem:$0xF3E0] =	vst v0  }
0x37: {  	[tilespmem:$0xF3F0] =	vst v0  }
0x38: {  	[tilespmem:$0xF400] =	vst v0  }
0x39: {  	[tilespmem:$0xF410] =	vst v0  }
0x3a: {  	[tilespmem:$0xF420] =	vst v0  }
0x3b: {  	[tilespmem:$0xF430] =	vst v0  }
0x3c: {  	[tilespmem:$0xF440] =	vst v0  }
0x3d: {  	[tilespmem:$0xF450] =	vst v0  }
0x3e: {  	[tilespmem:$0xF460] =	vst v0  }
0x3f: {  	[tilespmem:$0xF470] =	vst v0  }
0x40: {  	[tilespmem:$0xF480] =	vst v0  }
0x41: {  	[tilespmem:$0xF490] =	vst v0  }
0x42: {  	[tilespmem:$0xF4A0] =	vst v0  }
0x43: {  	[tilespmem:$0xF4B0] =	vst v0  }
0x44: {  	[tilespmem:$0xF4C0] =	vst v0  }
0x45: {  	[tilespmem:$0xF4D0] =	vst v0  }
0x46: {  	[tilespmem:$0xF4E0] =	vst v0  }
0x47: {  	[tilespmem:$0xF4F0] =	vst v0  }
0x48: {  	[spmem:s7] =	stream.linear.scatter [tilespmem:s15], [sflag:$0x2], $0x280, $0x38;
	[tilespmem:$0xFA00] =	vst v63  }
0x49: {  	_ =	swait.ge [sflag:s13], $0x280  }
0x4a: {  	[sflag:s13] =	ssyncset.done $0x0  }
0x4b: {  	[sflag:s13] =	ssyncadd.s32 $0xFFFFFD80  }
0x4c: {  	[bflag:$0x0] =	sbarrier.arrive $0xFFFF  }
.LBB2_3:
0x4d: {  	p1 =	sne.s32 s21, $0x13E00  }
.Ltmp3:
0x4e: {  	_ = 	snop;
	(pc) =	sbr.rel @p1 .LBB2_3-.Ltmp3, $4  }
0x4f: {  	_ = 	snop  }
0x50: {  	s22 =	sshra.s32 s21, $0x2  }
0x51: {  	s21 =	sadd.s32 $0x200, s21;
	s23 =	sadd.s32 $0xA000, s22  }
0x52: {  	[tilespmem:s23], [sflag:$0x1] =	stream.indirect.gather [hbm4b:s4+s16], $0x1, s22, s16, $0xb8;
	[tilespmem:$0xFA00] =	vst v63  }
0x53: {  	s21 =	simm.s32 $0xA0  }
.LBB2_5:
0x54: {  	p1 =	sne.s32 s21, $0x1  }
.Ltmp4:
0x55: {  	_ = 	snop;
	(pc) =	sbr.rel @p1 .LBB2_5-.Ltmp4, $4  }
0x56: {  	_ = 	snop  }
0x57: {  	_ =	swait.ge [sflag:s17], $0x80  }
0x58: {  	[sflag:s17] =	ssyncset.done $0x0  }
0x59: {  	s21 =	sadd.s32 $0xFFFFFFFF, s21;
	[sflag:s17] =	ssyncadd.s32 $0xFFFFFF80  }
0x5a: {  	s21 =	simm.s32 $0x0  }
.LBB2_7:
0x5b: {  	p1 =	sne.s32 s21, $0x13E00  }
.Ltmp5:
0x5c: {  	_ = 	snop;
	(pc) =	sbr.rel @p1 .LBB2_7-.Ltmp5, $4  }
0x5d: {  	_ = 	snop  }
0x5e: {  	s22 =	sshra.s32 s21, $0x2  }
0x5f: {  	s21 =	sadd.s32 $0x200, s21;
	s23 =	sadd.s32 $0xA000, s22;
	s22 =	sadd.s32 $0x5000, s22  }
0x60: {  	[spmem:s2] =	stream.indirect.scatter.add.f32 [tilespmem:s23], [sflag:$0x1], $0x1, s22, s16, $0xb8;
	[tilespmem:$0xFA00] =	vst v63  }
0x61: {  	_ =	swait.ge [sflag:s17], $0x80  }
0x62: {  	s21 =	simm.s32 $0x9F;
	[sflag:s17] =	ssyncset.done $0x0  }
.LBB2_9:
0x63: {  	p1 =	seq.s32 s21, $0x1;
	s21 =	sadd.s32 $0xFFFFFFFF, s21;
	[sflag:s17] =	ssyncadd.s32 $0xFFFFFF80  }
.Ltmp6:
0x64: {  	(pc) =	sbr.rel @!p1 .LBB2_9-.Ltmp6, $3  }
0x65: {  	_ =	sdelay $0x1  }
0x66: {  	_ =	swait.ge [sflag:s17], $0x80  }
0x67: {  	[sflag:s17] =	ssyncset.done $0x0  }
0x68: {  	[sflag:s17] =	ssyncadd.s32 $0xFFFFFF80  }
0x69: {  	[bflag:$0x0] =	sbarrier.arrive $0xFFFF  }
0x6a: {  	[tilespmem:s15], [sflag:$0x2] =	stream.linear.gather [spmem:s8], $0x280, $0x38;
	[tilespmem:$0xFA00] =	vst v63  }
0x6b: {  	_ =	swait.ge [sflag:s13], $0x280  }
0x6c: {  	[sflag:s13] =	ssyncset.done $0x0  }
0x6d: {  	s21 =	simm.s32 $0x0;
	[sflag:s13] =	ssyncadd.s32 $0xFFFFFD80  }
0x6e: {  	[tilespmem:s18], [sflag:$0x2] =	stream.linear.gather [hbm4b:s9+s21], $0x280, $0x38;
	[tilespmem:$0xFA00] =	vst v63  }
0x6f: {  	_ =	swait.ge [sflag:s13], $0x280  }
0x70: {  	[sflag:s13] =	ssyncset.done $0x0  }
0x71: {  	[sflag:s13] =	ssyncadd.s32 $0xFFFFFD80  }
0x72: {  	[tilespmem:s19], [sflag:$0x2] =	stream.linear.gather [hbm4b:s10+s21], $0x280, $0x38;
	[tilespmem:$0xFA00] =	vst v63  }
0x73: {  	_ =	swait.ge [sflag:s13], $0x280  }
0x74: {  	[sflag:s13] =	ssyncset.done $0x0  }
0x75: {  	s21 =	simm.s32 $0x0;
	[sflag:s13] =	ssyncadd.s32 $0xFFFFFD80  }
0x76: {  	s22 =	simm.s32 $0x40;
	v1 =	vld [tilespmem:s21+$0xF500]  }
.LBB2_11:
0x77: {  	p1 =	sne.s32 s22, $0x9C0;
	v2 =	vld [tilespmem:s21+$0xF280];
	_ =	sdelay $0x1  }
0x78: {  	v3 =	vld [tilespmem:s21+$0xF780];
	_ =	sdelay $0x2  }
.Ltmp7:
0x79: {  	v1 =	vadd.f32 v1, v2;
	(pc) =	sbr.rel @p1 .LBB2_11-.Ltmp7, $4  }
0x7a: {  	_ = 	snop  }
0x7b: {  	v2 =	vmul.f32 v3, v1  }
0x7c: {  	s23 =	sshra.s32 s22, $0x2  }
0x7d: {  	s22 =	sadd.s32 $0x40, s22;
	v1 =	vld [tilespmem:s23+$0xF500];
	[tilespmem:s21+$0xF280] =	vst v2;
	s21 =	smov.u32 s23  }
0x7e: {  	v2 =	vld [tilespmem:s21+$0xF280];
	_ =	sdelay $0x1  }
0x7f: {  	v3 =	vld [tilespmem:s21+$0xF780];
	_ =	sdelay $0x2  }
0x80: {  	v1 =	vadd.f32 v1, v2;
	_ =	sdelay $0x1  }
0x81: {  	v1 =	vmul.f32 v3, v1;
	_ =	sdelay $0x1  }
.Ltmp8:
0x82: {  	[tilespmem:s21+$0xF280] =	vst v1;
	(pc) =	sbr.rel .LBB2_13-.Ltmp8, $4  }
0x83: {  	[hbm4b:s11+s3] =	stream.linear.scatter [tilespmem:s15], [sflag:$0x2], $0x280, $0x38;
	[tilespmem:$0xFA00] =	vst v63  }
0x84: {  	_ =	swait.ge [sflag:s13], $0x280  }
0x85: {  	[sflag:s13] =	ssyncset.done $0x0  }
0x86: {  	[sflag:s13] =	ssyncadd.s32 $0xFFFFFD80  }
.LBB2_14:
0x87: {  	_ =	sfence.sel $0x180000  }
0x88: {  	[bflag:$0x0] =	sbarrier.arrive $0xFFFF  }
0x89: {  	p0 =	sne.s32 s1, $0x0;
	_ =	strace $0x9000004D  }
0x8a: {  	s0 =	sadd.s32 @!p0 $0x100000, s0;
	[bflag:$0x2] =	sbarrier.arrive $0xFFFF  }
0x8b: {  	[sflag:s0] =	ssyncadd.tile.s32 @!p0 $0x1;
	_ =	shalt  }
.Lfunc_end2:
_tile_overlayer_lowered:
.L_overlay_start_2:
0x8c: {  	(tag) =	ssettag $0x2  }
0x8d: {  	s0 =	rddreg [dreg:$0x0];
	s2 =	stileid.u32  }
0x8e: {  	s1 =	rddreg [dreg:$0x1];
	p0 =	sne.s32 s2, $0x0  }
0x8f: {  	s3 =	rddreg [dreg:$0x2];
	[bflag:$0x3] =	sbarrier.arrive $0xFFFF;
	s2 =	simm.s32 @!p0 $0x1C02  }
0x90: {  	[timem:s3], [sflag:s2] =	dma.local @!p0 [hbm:s0], s1  }
0x91: {  	s0 =	simm.s32 @!p0 $0x2  }
0x92: {  	_ =	swait.ge @!p0 [sflag:s0], s1  }
0x93: {  	s1 =	ssub.s32 @!p0 $0x0, s1;
	[sflag:s0] =	ssyncset.done @!p0 $0x0  }
0x94: {  	[sflag:s0] =	ssyncadd.s32 @!p0 s1  }
0x95: {  	[bflag:$0x3] =	sbarrier.arrive $0xFFFF  }
0x96: {  	_ =	shalt  }

// kernel: kernel.7.cloned.1.call-start
scs
__scs_entry_jumppad:
0x0: {  	(pc) =	sbr.rel $0x88, $3  }
0x1: {  	(tag) =	ssettag $0x0;
	lr =	simm.s32 $0x1  }
0x2: {  	[smem:$0x3F9B] =	sst lr;
	_ =	strace $0xD0000000  }
0x3: {  	_ = 	snop  }
0x4: {  	_ = 	snop  }
0x5: {  	_ = 	snop  }
0x6: {  	_ = 	snop  }
0x7: {  	_ = 	snop  }
__scs_overlays_trampoline_lowered:
0x8: {  	[smem:$0x3FAA] =	sst s0  }
0x9: {  	[smem:$0x3FAB] =	sst s1  }
0xa: {  	[smem:$0x3FAC] =	sst s2  }
0xb: {  	[smem:$0x3FAD] =	sst s3  }
0xc: {  	[smem:$0x3FAE] =	sst s4  }
0xd: {  	[smem:$0x3FAF] =	sst s5  }
0xe: {  	[smem:$0x3FB0] =	sst s6  }
0xf: {  	[smem:$0x3FB1] =	sst s7  }
0x10: {  	[smem:$0x3FB2] =	sst s8  }
0x11: {  	[smem:$0x3FB3] =	sst s9;
	s0 =	simm.s32 @!p0 $0x0  }
0x12: {  	s1 =	sld [smem:$0x3F99];
	s0 =	simm.s32 @p0 $0x1  }
0x13: {  	[smem:$0x3FB4] =	sst s0;
	s0 =	simm.s32 @!p1 $0x0  }
0x14: {  	s2 =	sld [smem:$0x3F98];
	s0 =	simm.s32 @p1 $0x1  }
0x15: {  	[smem:$0x3FB5] =	sst s0;
	s0 =	simm.s32 @!p2 $0x0  }
0x16: {  	s3 =	sld [smem:$0x3FDB];
	s0 =	simm.s32 @p2 $0x1  }
0x17: {  	s4 =	simm.s32 $0x1BF5;
	[smem:$0x3FB7] =	sst s0  }
0x18: {  	s0 =	sld [smem:$0x3F9A];
	_ =	swait.ge [sflag:s4], $0x0  }
0x19: {  	s7 =	sld [smem:$0x3F9B]  }
0x1a: {  	s8 =	sadd.s32 $0xFFFFE003, lr  }
0x1b: {  	s9 =	sadd.s32 $0xFFFFFEF7, lr;
	s5 =	simm.s32 $0xFFFFFFFF;
	p2 =	slt.u32 s8, $0xFFFFF086  }
0x1c: {  	p1 =	slt.u32 s9, $0xF7A;
	s5 =	simm.s32 @!p2 $0x0  }
0x1d: {  	s5 =	simm.s32 @p1 $0x1;
	p0 =	seq.s32 s7, s2  }
0x1e: {  	s7 =	smul.u32 @!p0 $0xF7A, s2;
	p2 =	seq.s32 @!p0 s5, $0x0  }
0x1f: {  	s9 =	smul.u32 $0xF7A, s1;
	s8 =	simm.s32 @!p0 $0x1BF5;
	p2 =	por !p2, p0  }
0x20: {  	[sflag:s8] =	ssyncset.s32 @!p0 $0xFFFFF086;
	s6 =	sadd.s32 @!p0 s3, s7;
	s7 =	simm.s32 @!p0 $0x108  }
0x21: {  	s3 =	sadd.s32 s3, s9;
	s6 =	sadd.s32 @!p0 $0x88, s6;
	s7 =	simm.s32 @p2 $0x1082  }
0x22: {  	[simem:s7], [sflag:s8] =	dma.local @!p0 [hbm:s6], $0xF7A  }
0x23: {  	s9 =	sor.u32 $0xD0000000, s2;
	s6 =	simm.s32 $0x108;
	_ =	swait.ge @!p0 [sflag:s8], $0x0  }
0x24: {  	s3 =	sadd.s32 $0x88, s3;
	s6 =	simm.s32 @!p1 $0x1082;
	[sflag:s4] =	ssyncset.s32 $0xFFFFF086  }
0x25: {  	[simem:s6], [sflag:s4] =	dma.local [hbm:s3], $0xF7A  }
0x26: {  	[smem:$0x3F9B] =	sst s1;
	(tag) =	ssettag s2;
	_ =	strace s9  }
0x27: {  	s1 =	sld [smem:$0x3FAB]  }
0x28: {  	s2 =	sld [smem:$0x3FAC]  }
0x29: {  	s4 =	sld [smem:$0x3FAE]  }
0x2a: {  	p0 =	seq.s32 s5, $0x0;
	s5 =	sld [smem:$0x3FAF]  }
0x2b: {  	s6 =	sld [smem:$0x3FB0]  }
0x2c: {  	s7 =	sld [smem:$0x3FB1]  }
0x2d: {  	s3 =	simm.s32 $0x108;
	s8 =	sld [smem:$0x3FB2]  }
0x2e: {  	s3 =	simm.s32 @!p0 $0x1082;
	s9 =	sld [smem:$0x3FB3]  }
0x2f: {  	lr =	sadd.s32 s0, s3;
	s0 =	sld [smem:$0x3FAA]  }
0x30: {  	s3 =	sld [smem:$0x3FAD]  }
0x31: {  	[smem:$0x3FB6] =	sst s10  }
0x32: {  	s10 =	sld [smem:$0x3FB4];
	_ =	sdelay $0x3  }
0x33: {  	p0 =	seq.s32 s10, $0x1;
	s10 =	sld [smem:$0x3FB6];
	_ =	sdelay $0x3  }
0x34: {  	[smem:$0x3FB6] =	sst s10  }
0x35: {  	s10 =	sld [smem:$0x3FB5];
	_ =	sdelay $0x3  }
0x36: {  	p1 =	seq.s32 s10, $0x1;
	s10 =	sld [smem:$0x3FB6];
	_ =	sdelay $0x3  }
0x37: {  	[smem:$0x3FB6] =	sst s10  }
0x38: {  	s10 =	sld [smem:$0x3FB7]  }
0x39: {  	_ = 	snop;
	(pc) =	sbr.ind lr, $3  }
0x3a: {  	_ = 	snop  }
0x3b: {  	_ = 	snop  }
0x3c: {  	p2 =	seq.s32 s10, $0x1;
	s10 =	sld [smem:$0x3FB6]  }
0x3d: {  	_ =	shalt  }
0x3e: {  	_ =	shalt  }
0x3f: {  	_ =	shalt  }
0x40: {  	_ =	shalt  }
0x41: {  	_ =	shalt  }
0x42: {  	_ =	shalt  }
0x43: {  	_ =	shalt  }
0x44: {  	_ =	shalt  }
0x45: {  	_ =	shalt  }
0x46: {  	_ =	shalt  }
0x47: {  	_ =	shalt  }
0x48: {  	_ =	shalt  }
0x49: {  	_ =	shalt  }
0x4a: {  	_ =	shalt  }
0x4b: {  	_ =	shalt  }
0x4c: {  	_ =	shalt  }
0x4d: {  	_ =	shalt  }
0x4e: {  	_ =	shalt  }
0x4f: {  	_ =	shalt  }
0x50: {  	_ =	shalt  }
0x51: {  	_ =	shalt  }
0x52: {  	_ =	shalt  }
0x53: {  	_ =	shalt  }
0x54: {  	_ =	shalt  }
0x55: {  	_ =	shalt  }
0x56: {  	_ =	shalt  }
0x57: {  	_ =	shalt  }
0x58: {  	_ =	shalt  }
0x59: {  	_ =	shalt  }
0x5a: {  	_ =	shalt  }
0x5b: {  	_ =	shalt  }
0x5c: {  	_ =	shalt  }
0x5d: {  	_ =	shalt  }
0x5e: {  	_ =	shalt  }
0x5f: {  	_ =	shalt  }
0x60: {  	_ =	shalt  }
0x61: {  	_ =	shalt  }
0x62: {  	_ =	shalt  }
0x63: {  	_ =	shalt  }
0x64: {  	_ =	shalt  }
0x65: {  	_ =	shalt  }
0x66: {  	_ =	shalt  }
0x67: {  	_ =	shalt  }
0x68: {  	_ =	shalt  }
0x69: {  	_ =	shalt  }
0x6a: {  	_ =	shalt  }
0x6b: {  	_ =	shalt  }
0x6c: {  	_ =	shalt  }
0x6d: {  	_ =	shalt  }
0x6e: {  	_ =	shalt  }
0x6f: {  	_ =	shalt  }
0x70: {  	_ =	shalt  }
0x71: {  	_ =	shalt  }
0x72: {  	_ =	shalt  }
0x73: {  	_ =	shalt  }
0x74: {  	_ =	shalt  }
0x75: {  	_ =	shalt  }
0x76: {  	_ =	shalt  }
0x77: {  	_ =	shalt  }
0x78: {  	_ =	shalt  }
0x79: {  	_ =	shalt  }
0x7a: {  	_ =	shalt  }
0x7b: {  	_ =	shalt  }
0x7c: {  	_ =	shalt  }
0x7d: {  	_ =	shalt  }
0x7e: {  	_ =	shalt  }
0x7f: {  	_ =	shalt  }
0x80: {  	_ =	shalt  }
0x81: {  	_ =	shalt  }
0x82: {  	_ =	shalt  }
0x83: {  	_ =	shalt  }
0x84: {  	_ =	shalt  }
0x85: {  	_ =	shalt  }
0x86: {  	_ =	shalt  }
0x87: {  	_ =	shalt  }
.Lfunc_end0:
.L_simem_size_0:
called_computation_lowered:
.L_overlay_start_0:
0x88: {  	s2 =	sld [smem:$0x3FD9]  }
0x89: {  	s3 =	sld [smem:$0x3FFE];
	_ =	sdelay $0x1  }
0x8a: {  	s1 =	srdreg.scid  }
0x8b: {  	s0 =	sand.u32 $0x1, s1  }
0x8c: {  	s16 =	sshll.u32 s0, $0xA;
	s2 =	sadd.s32 s3, s2  }
0x8d: {  	s2 =	sadd.s32 s2, s16  }
0x8e: {  	[smem:$0x3FC2] =	sst s2  }
0x8f: {  	_ = 	snop  }
0x90: {  	(tm) =	ssettm $0x1  }
0x91: {  	s17 =	sld [smem:$0x3FFB];
	_ =	sdelay $0x3  }
0x92: {  	_ =	strace s17  }
0x93: {  	s2 =	sld [smem:$0x3FFC];
	_ =	sdelay $0x3  }
0x94: {  	_ =	strace s2  }
0x95: {  	s2 =	sld [smem:$0x3FFD];
	_ =	sdelay $0x3  }
0x96: {  	_ =	strace s2  }
0x97: {  	_ =	strace $0x8FFFFFFF  }
0x98: {  	s18 =	sld [smem:$0x3FDB];
	_ =	sdelay $0x1  }
0x99: {  	s19 =	simm.s32 $_scs_section_size  }
0x9a: {  	s4 =	simm.s32 $_size__tile_overlayer_lowered;
	s5 =	simm.s32 $_tile_overlayer_lowered  }
0x9b: {  	s22 =	simm.s32 $0x1BFF;
	s21 =	sshll.u32 s5, $0x1;
	s2 =	sadd.s32 s19, s18  }
0x9c: {  	s6 =	simm.s32 $0x0;
	s20 =	sshll.u32 s4, $0x1;
	s4 =	sadd.s32 s21, s2  }
0x9d: {  	[timem:s6], [sflag:s22] =	dma.local [hbm:s4], s20  }
0x9e: {  	_ =	swait.ge [sflag:s22], s20  }
0x9f: {  	s3 =	ssub.s32 $0x0, s20;
	[sflag:s22] =	ssyncset.done $0x0  }
0xa0: {  	[sflag:s22] =	ssyncadd.s32 s3;
	_ =	sdelay $0x1  }
0xa1: {  	s23 =	simm.s32 $0x1B8B  }
0xa2: {  	_ =	swait.ge [sflag:s23], $0x1  }
0xa3: {  	[sflag:s23] =	ssyncset.done $0x0  }
0xa4: {  	s25 =	simm.s32 $0x1B8E;
	s24 =	sld [smem:$0x3FFE];
	[sflag:s23] =	ssyncadd.s32 $0xFFFFFFFF  }
0xa5: {  	s26 =	simm.s32 $execute0_lowered;
	[smem:$0x3FD2] =	sst s25  }
0xa6: {  	s4 =	sshll.u32 s26, $0x1;
	_ =	strace $0x80000046;
	[dreg:$0x1] =	wrdreg $0xFFFFFFFF  }
0xa7: {  	s28 =	simm.s32 $_size_execute0_lowered;
	s2 =	sadd.s32 s2, s4;
	[dreg:$0x0] =	wrdreg $0x0  }
0xa8: {  	s4 =	sshll.u32 s28, $0x1;
	[dreg:$0x2] =	wrdreg s2  }
0xa9: {  	[dreg:$0x3] =	wrdreg s4  }
0xaa: {  	[dreg:$0x4] =	wrdreg $0xC0  }
0xab: {  	_ =	task [dreg:s6], $0x5FFFF  }
0xac: {  	[dreg:$0x1] =	wrdreg $0xFFFFFFFF  }
0xad: {  	[dreg:$0x0] =	wrdreg $0x60  }
0xae: {  	[dreg:$0x2] =	wrdreg s24  }
0xaf: {  	[dreg:$0x3] =	wrdreg $0x50800  }
0xb0: {  	[dreg:$0x4] =	wrdreg $0x9  }
0xb1: {  	_ =	task.clear_ibuf [dreg:s6], $0x5FFFF;
	_ =	strace $0x90000046  }
0xb2: {  	s29 =	simm.s32 $0x9;
	_ =	strace $0x80000048  }
0xb3: {  	_ =	swait.ge [sflag:s29], $0x1  }
0xb4: {  	[sflag:s29] =	ssyncadd.s32 $0xFFFFFFFF  }
0xb5: {  	_ =	strace $0x90000048  }
0xb6: {  	_ =	sfence  }
0xb7: {  	s30 =	sld [smem:$0x0];
	_ =	sdelay $0x2  }
0xb8: {  	s31 =	sshll.u32 s1, $0xD;
	s1 =	sshrl.u32 s1, $0x2  }
0xb9: {  	s3 =	sand.u32 $0x4000, s31;
	s1 =	sadd.s32 s1, s30  }
0xba: {  	s0 =	sor.u32 s3, s0;
	s1 =	sshll.u32 s1, $0x11  }
0xbb: {  	s0 =	sor.u32 s1, s0  }
0xbc: {  	s0 =	sadd.s32 $0x8F2B, s0  }
0xbd: {  	[sflag:s0] =	ssyncadd.remote.s32 $0x1  }
0xbe: {  	_ =	sfence.sel $0xFFFF  }
0xbf: {  	[dreg:$0x0] =	wrdreg $0xFFFFFFFF;
	(pc) =	sbr.abs _section_cstart, $3  }
0xc0: {  	[dreg:$0x1] =	wrdreg $0xFFFFFFFF  }
0xc1: {  	_ =	task.clear_ibuf [dreg:s6], $0x2FFFF;
	_ =	strace $0x9FFFFFFF  }
0xc2: {  	(tm) =	ssettm $0x7FFFFFFF  }
0xc3: {  	_ =	shalt  }
tec
execute0_lowered:
.L_overlay_start_1:
0x0: {  	(tag) =	ssettag $0x1  }
0x1: {  	s4 =	rddreg [dreg:$0x0]  }
0x2: {  	s2 =	rddreg [dreg:$0x1]  }
0x3: {  	s0 =	rddreg [dreg:$0x2];
	s1 =	stileid.u32  }
0x4: {  	s3 =	simm.s32 $0x0;
	s6 =	srdreg.scid;
	s12 =	simm.s32 $0x5000  }
0x5: {  	s13 =	simm.s32 $0x1;
	s14 =	simm.s32 $0x0;
	s5 =	smul.u32 $0xA00, s1  }
0x6: {  	[smem:$0x7FF] =	sst s3;
	s7 =	smul.u32 $0x280, s1;
	s9 =	sand.u32 $0x1, s6  }
0x7: {  	_ =	strace $0x80000047;
	s6 =	ssub.s32 $0x2, s9;
	p0 =	sne.s32 s9, $0x0  }
.Ltmp0:
0x8: {  	s9 =	simm.s32 $0x2;
	s8 =	sadd.s32 s5, s4;
	(pc) =	sbr.rel .LBB2_1-.Ltmp0, $4  }
0x9: {  	s10 =	sshrl.u32 s7, $0x3;
	s11 =	sshrl.u32 s6, $0x1;
	s5 =	sshrl.u32 s5, $0x2  }
0xa: {  	s10 =	sadd.s32 s10, s4;
	s11 =	ssub.s32 s6, s11;
	s4 =	sadd.s32 $0x1400, s8  }
0xb: {  	s5 =	sadd.s32 s5, s2;
	s6 =	sadd.s32 s7, s2;
	s7 =	sadd.s32 $0xB400, s10  }
0xc: {  	v0 =	vimm.f32 $1.000000000e+00;
	v1 =	vimm.f32 $0.0e+00;
	s8 =	smax.u32 s11, $0x1;
	s10 =	simm.s32 $0x5300;
	s11 =	simm.s32 $0x80  }
.LBB2_11:
0xd: {  	[bflag:$0x0] =	sbarrier.arrive $0xFFFF  }
0xe: {  	[bflag:$0x0] =	sbarrier.arrive $0xFFFF  }
.LBB2_9:
0xf: {  	s14 =	sadd.s32 $0x1, s14  }
0x10: {  	p1 =	sne.s32 s14, s8  }
.Ltmp1:
0x11: {  	_ = 	snop;
	(pc) =	sbr.rel @!p1 .LBB2_10-.Ltmp1, $1  }
0x12: {  	_ =	sdelay $0x3  }
.LBB2_1:
.Ltmp2:
0x13: {  	(pc) =	sbr.rel @p0 .LBB2_11-.Ltmp2, $1  }
0x14: {  	_ =	sdelay $0x3  }
0x15: {  	s15 =	simm.s32 $0x0  }
0x16: {  	[tilespmem:s15], [sflag:$0x2] =	stream.linear.gather [hbm4b:s4+s15], $0x5000, $0x38;
	[tilespmem:$0x5580] =	vst v63  }
0x17: {  	_ =	swait.ge [sflag:s9], $0x5000  }
0x18: {  	[sflag:s9] =	ssyncset.done $0x0  }
0x19: {  	[sflag:s9] =	ssyncadd.s32 $0xFFFFB000  }
0x1a: {  	[tilespmem:$0x5000] =	vst v0  }
0x1b: {  	[tilespmem:$0x5010] =	vst v0  }
0x1c: {  	[tilespmem:$0x5020] =	vst v0  }
0x1d: {  	[tilespmem:$0x5030] =	vst v0  }
0x1e: {  	[tilespmem:$0x5040] =	vst v0  }
0x1f: {  	[tilespmem:$0x5050] =	vst v0  }
0x20: {  	[tilespmem:$0x5060] =	vst v0  }
0x21: {  	[tilespmem:$0x5070] =	vst v0  }
0x22: {  	[tilespmem:$0x5300] =	vst v1  }
0x23: {  	[tilespmem:$0x5310] =	vst v1  }
0x24: {  	[tilespmem:$0x5320] =	vst v1  }
0x25: {  	[tilespmem:$0x5330] =	vst v1  }
0x26: {  	[tilespmem:$0x5340] =	vst v1  }
0x27: {  	[tilespmem:$0x5350] =	vst v1  }
0x28: {  	[tilespmem:$0x5360] =	vst v1  }
0x29: {  	[tilespmem:$0x5370] =	vst v1  }
0x2a: {  	[tilespmem:$0x5380] =	vst v1  }
0x2b: {  	[tilespmem:$0x5390] =	vst v1  }
0x2c: {  	[tilespmem:$0x53A0] =	vst v1  }
0x2d: {  	[tilespmem:$0x53B0] =	vst v1  }
0x2e: {  	[tilespmem:$0x53C0] =	vst v1  }
0x2f: {  	[tilespmem:$0x53D0] =	vst v1  }
0x30: {  	[tilespmem:$0x53E0] =	vst v1  }
0x31: {  	[tilespmem:$0x53F0] =	vst v1  }
0x32: {  	[tilespmem:$0x5400] =	vst v1  }
0x33: {  	[tilespmem:$0x5410] =	vst v1  }
0x34: {  	[tilespmem:$0x5420] =	vst v1  }
0x35: {  	[tilespmem:$0x5430] =	vst v1  }
0x36: {  	[tilespmem:$0x5440] =	vst v1  }
0x37: {  	[tilespmem:$0x5450] =	vst v1  }
0x38: {  	[tilespmem:$0x5460] =	vst v1  }
0x39: {  	[tilespmem:$0x5470] =	vst v1  }
0x3a: {  	[tilespmem:$0x5480] =	vst v1  }
0x3b: {  	[tilespmem:$0x5490] =	vst v1  }
0x3c: {  	[tilespmem:$0x54A0] =	vst v1  }
0x3d: {  	[tilespmem:$0x54B0] =	vst v1  }
0x3e: {  	[tilespmem:$0x54C0] =	vst v1  }
0x3f: {  	[tilespmem:$0x54D0] =	vst v1  }
0x40: {  	[tilespmem:$0x54E0] =	vst v1  }
0x41: {  	[tilespmem:$0x54F0] =	vst v1  }
0x42: {  	[tilespmem:$0x5500] =	vst v1  }
0x43: {  	[tilespmem:$0x5510] =	vst v1  }
0x44: {  	[tilespmem:$0x5520] =	vst v1  }
0x45: {  	[tilespmem:$0x5530] =	vst v1  }
0x46: {  	[tilespmem:$0x5540] =	vst v1  }
0x47: {  	[tilespmem:$0x5550] =	vst v1  }
0x48: {  	[tilespmem:$0x5560] =	vst v1  }
0x49: {  	[tilespmem:$0x5570] =	vst v1  }
0x4a: {  	[spmem:s5] =	stream.linear.scatter [tilespmem:s10], [sflag:$0x2], $0x280, $0x38;
	[tilespmem:$0x5580] =	vst v63  }
0x4b: {  	_ =	swait.ge [sflag:s9], $0x280  }
0x4c: {  	[sflag:s9] =	ssyncset.done $0x0  }
0x4d: {  	[sflag:s9] =	ssyncadd.s32 $0xFFFFFD80  }
0x4e: {  	[bflag:$0x0] =	sbarrier.arrive $0xFFFF  }
.LBB2_3:
0x4f: {  	p1 =	sne.s32 s15, $0x13E00  }
.Ltmp3:
0x50: {  	_ = 	snop;
	(pc) =	sbr.rel @p1 .LBB2_3-.Ltmp3, $3  }
0x51: {  	_ =	sdelay $0x1  }
0x52: {  	s16 =	sshra.s32 s15, $0x2;
	s15 =	sadd.s32 $0x200, s15  }
0x53: {  	[spmem:s2] =	stream.indirect.scatter.add.f32 [tilespmem:s12], [sflag:$0x1], $0x1, s16, s11, $0xb8;
	[tilespmem:$0x5580] =	vst v63  }
0x54: {  	_ =	swait.ge [sflag:s13], $0x80  }
0x55: {  	s15 =	simm.s32 $0x9F;
	[sflag:s13] =	ssyncset.done $0x0  }
.LBB2_5:
0x56: {  	p1 =	seq.s32 s15, $0x1;
	s15 =	sadd.s32 $0xFFFFFFFF, s15;
	[sflag:s13] =	ssyncadd.s32 $0xFFFFFF80  }
.Ltmp4:
0x57: {  	(pc) =	sbr.rel @!p1 .LBB2_5-.Ltmp4, $3  }
0x58: {  	_ =	sdelay $0x1  }
0x59: {  	_ =	swait.ge [sflag:s13], $0x80  }
0x5a: {  	[sflag:s13] =	ssyncset.done $0x0  }
0x5b: {  	[sflag:s13] =	ssyncadd.s32 $0xFFFFFF80  }
0x5c: {  	[bflag:$0x0] =	sbarrier.arrive $0xFFFF  }
0x5d: {  	[tilespmem:s10], [sflag:$0x2] =	stream.linear.gather [spmem:s6], $0x280, $0x38;
	[tilespmem:$0x5580] =	vst v63  }
0x5e: {  	_ =	swait.ge [sflag:s9], $0x280  }
0x5f: {  	[sflag:s9] =	ssyncset.done $0x0  }
0x60: {  	s15 =	simm.s32 $0x0;
	s16 =	simm.s32 $0x40;
	[sflag:s9] =	ssyncadd.s32 $0xFFFFFD80  }
.LBB2_7:
0x61: {  	p1 =	sne.s32 s16, $0x9C0;
	v2 =	vld [tilespmem:s15+$0x5300];
	_ =	sdelay $0x2  }
.Ltmp5:
0x62: {  	(pc) =	sbr.rel @p1 .LBB2_7-.Ltmp5, $3  }
0x63: {  	_ = 	snop  }
0x64: {  	v2 =	vadd.f32 $1.000000000e+00, v2;
	_ =	sdelay $0x1  }
0x65: {  	[tilespmem:s15+$0x5300] =	vst v2;
	s15 =	sshra.s32 s16, $0x2;
	s16 =	sadd.s32 $0x40, s16  }
0x66: {  	v2 =	vld [tilespmem:s15+$0x5300];
	_ =	sdelay $0x4  }
0x67: {  	v2 =	vadd.f32 $1.000000000e+00, v2;
	_ =	sdelay $0x1  }
.Ltmp6:
0x68: {  	[tilespmem:s15+$0x5300] =	vst v2;
	(pc) =	sbr.rel .LBB2_9-.Ltmp6, $4  }
0x69: {  	[hbm4b:s7+s3] =	stream.linear.scatter [tilespmem:s10], [sflag:$0x2], $0x280, $0x38;
	[tilespmem:$0x5580] =	vst v63  }
0x6a: {  	_ =	swait.ge [sflag:s9], $0x280  }
0x6b: {  	[sflag:s9] =	ssyncset.done $0x0  }
0x6c: {  	[sflag:s9] =	ssyncadd.s32 $0xFFFFFD80  }
.LBB2_10:
0x6d: {  	_ =	sfence.sel $0x180000  }
0x6e: {  	[bflag:$0x0] =	sbarrier.arrive $0xFFFF  }
0x6f: {  	p0 =	sne.s32 s1, $0x0;
	_ =	strace $0x90000047  }
0x70: {  	s0 =	sadd.s32 @!p0 $0x100000, s0;
	[bflag:$0x2] =	sbarrier.arrive $0xFFFF  }
0x71: {  	[sflag:s0] =	ssyncadd.tile.s32 @!p0 $0x1;
	_ =	shalt  }
.Lfunc_end2:
_tile_overlayer_lowered:
.L_overlay_start_2:
0x72: {  	(tag) =	ssettag $0x2  }
0x73: {  	s0 =	rddreg [dreg:$0x0];
	s2 =	stileid.u32  }
0x74: {  	s1 =	rddreg [dreg:$0x1];
	p0 =	sne.s32 s2, $0x0  }
0x75: {  	s3 =	rddreg [dreg:$0x2];
	[bflag:$0x3] =	sbarrier.arrive $0xFFFF;
	s2 =	simm.s32 @!p0 $0x1C02  }
0x76: {  	[timem:s3], [sflag:s2] =	dma.local @!p0 [hbm:s0], s1  }
0x77: {  	s0 =	simm.s32 @!p0 $0x2  }
0x78: {  	_ =	swait.ge @!p0 [sflag:s0], s1  }
0x79: {  	s1 =	ssub.s32 @!p0 $0x0, s1;
	[sflag:s0] =	ssyncset.done @!p0 $0x0  }
0x7a: {  	[sflag:s0] =	ssyncadd.s32 @!p0 s1  }
0x7b: {  	[bflag:$0x3] =	sbarrier.arrive $0xFFFF  }
0x7c: {  	_ =	shalt  }

</sc_bundles>
